<compile_context>
chip_gen: v7x
topology: tpu7x:2x2x1
jax: 0.10.2.dev20260603
libtpu: 0.0.44.dev20260713+nightly
codegen_flags: <defaults>
</compile_context>

<pallas_src>
import functools

import jax
import jax.numpy as jnp
from jax import lax
from jax.experimental import pallas as pl
from jax.experimental.pallas import tpu as pltpu
from jax.experimental.pallas import tpu_sc as plsc

N = 1048576
NCLS = 21
NCORES = 2
NSUB = 16
LANES = 16
NW = NCORES * NSUB
ROWS_PER_W = N // NW
CHUNK = 1024
NBUF = 4
NCHUNK = ROWS_PER_W // CHUNK
GROUPS = CHUNK // LANES
UNROLL = 4

_LN2 = 0.6931471805599453


def _vlog(p):
    bits = plsc.bitcast(p, jnp.int32)
    e = (bits >> 23) - 127
    mbits = (bits & 0x007FFFFF) | 0x3F800000
    m = plsc.bitcast(mbits, jnp.float32)
    ef = e.astype(jnp.float32)
    t = (m - 1.0) / (m + 1.0)
    t2 = t * t
    q = (2.0 / 7.0) * t2 + (2.0 / 5.0)
    q = q * t2 + (2.0 / 3.0)
    q = q * t2 + 2.0
    return t * q + ef * _LN2


def _sc_body(rt_hbm, lab_hbm, sums_out, cnts_out,
             vb0, vb1, vb2, vb3, lb0, lb1, lb2, lb3,
             sums_t, cnts_t, sv0, sv1, sv2, sv3, sl0, sl1, sl2, sl3):
    wid = lax.axis_index("s") * NCORES + lax.axis_index("c")
    row0 = wid * ROWS_PER_W

    z16 = jnp.zeros((LANES,), jnp.float32)
    for c in range(NCLS):
        sums_t[c, :] = z16
        cnts_t[c, :] = z16

    lane = lax.iota(jnp.int32, LANES)
    ones = jnp.ones((LANES,), jnp.float32)

    vbufs = (vb0, vb1, vb2, vb3)
    lbufs = (lb0, lb1, lb2, lb3)
    svs = (sv0, sv1, sv2, sv3)
    sls = (sl0, sl1, sl2, sl3)

    def start(k, b):
        base = row0 + k * CHUNK
        pltpu.async_copy(
            rt_hbm.at[:, pl.ds(base, CHUNK)], vbufs[b], svs[b])
        pltpu.async_copy(lab_hbm.at[pl.ds(base, CHUNK)], lbufs[b], sls[b])

    def wait(b):
        pltpu.make_async_copy(
            rt_hbm.at[:, pl.ds(0, CHUNK)], vbufs[b], svs[b]).wait()
        pltpu.make_async_copy(
            lab_hbm.at[pl.ds(0, CHUNK)], lbufs[b], sls[b]).wait()

    for b in range(NBUF - 1):
        start(b, b)

    def ring_body(j, _):
        for b in range(NBUF):
            k = j * NBUF + b

            @pl.when(k + NBUF - 1 < NCHUNK)
            def _():
                start(k + NBUF - 1, (b + NBUF - 1) % NBUF)

            wait(b)
            vbuf = vbufs[b]
            lbuf = lbufs[b]

            @plsc.parallel_loop(0, GROUPS, unroll=UNROLL)
            def _group(g):
                off = g * LANES
                labv = lbuf[pl.ds(off, LANES)]
                cols = off + lane
                vals = plsc.load_gather(vbuf, [labv, cols])
                lnp = _vlog(vals)
                plsc.addupdate_scatter(sums_t, [labv, lane], lnp)
                plsc.addupdate_scatter(cnts_t, [labv, lane], ones)

        return 0

    lax.fori_loop(0, NCHUNK // NBUF, ring_body, 0)

    pltpu.sync_copy(sums_t, sums_out.at[wid])
    pltpu.sync_copy(cnts_t, cnts_out.at[wid])


_sc_kernel = functools.partial(
    pl.kernel,
    out_type=(
        jax.ShapeDtypeStruct((NW, NCLS, LANES), jnp.float32),
        jax.ShapeDtypeStruct((NW, NCLS, LANES), jnp.float32),
    ),
    mesh=plsc.VectorSubcoreMesh(
        core_axis_name="c", subcore_axis_name="s",
        num_cores=NCORES, num_subcores=NSUB),
    compiler_params=pltpu.CompilerParams(needs_layout_passes=False),
    scratch_types=(
        pltpu.VMEM((NCLS, CHUNK), jnp.float32),
        pltpu.VMEM((NCLS, CHUNK), jnp.float32),
        pltpu.VMEM((NCLS, CHUNK), jnp.float32),
        pltpu.VMEM((NCLS, CHUNK), jnp.float32),
        pltpu.VMEM((CHUNK,), jnp.int32),
        pltpu.VMEM((CHUNK,), jnp.int32),
        pltpu.VMEM((CHUNK,), jnp.int32),
        pltpu.VMEM((CHUNK,), jnp.int32),
        pltpu.VMEM((NCLS, LANES), jnp.float32),
        pltpu.VMEM((NCLS, LANES), jnp.float32),
        pltpu.SemaphoreType.DMA,
        pltpu.SemaphoreType.DMA,
        pltpu.SemaphoreType.DMA,
        pltpu.SemaphoreType.DMA,
        pltpu.SemaphoreType.DMA,
        pltpu.SemaphoreType.DMA,
        pltpu.SemaphoreType.DMA,
        pltpu.SemaphoreType.DMA,
    ),
)(_sc_body)


def _combine_body(sums_ref, cnts_ref, wl_ref, ls_ref, out_ref):
    s = jnp.sum(sums_ref[...], axis=0)
    c = jnp.sum(cnts_ref[...], axis=0)
    per_class = -jnp.sum(s, axis=1, keepdims=True)
    counts = jnp.sum(c, axis=1, keepdims=True)
    present = (counts > 0.0).astype(jnp.float32)
    contrib = wl_ref[...] * (per_class[1:] + 1.0) * present[1:]
    out_ref[...] = jnp.reshape(jnp.sum(contrib) / jnp.sum(ls_ref[...]), (1, 1))


def kernel(realinput, reallabel, Wl, label_sum):
    sums, cnts = _sc_kernel(realinput.T, reallabel)
    out = pl.pallas_call(
        _combine_body,
        out_shape=jax.ShapeDtypeStruct((1, 1), jnp.float32),
    )(sums, cnts, Wl.reshape(NCLS - 1, 1), label_sum.reshape(NCLS - 1, 1))
    return out[0, 0]

# --- scband reference (transcript-rebuilt; emitter-appended) ---
"""Pipeline reference for scband-lcross-11106785427996 (READ-ONLY COPY).

The authoritative reference and input builder live on the scoring server;
editing this copy changes nothing except your own understanding.
"""

import jax, jax.numpy as jnp
import numpy as np

N = 1048576
NC = 21

def setup_inputs(seed: int = 0) -> dict:
    key = jax.random.key(seed)
    k1, k2, k3, k4 = jax.random.split(key, 4)
    # probabilities must be strictly positive for log; uniform in (1e-3, 1)
    realinput = jax.random.uniform(k1, (N, NC), dtype=jnp.float32, minval=1e-3, maxval=1.0)
    reallabel = jax.random.randint(k2, (N,), 0, NC, dtype=jnp.int32)
    Wl = jax.random.uniform(k3, (NC - 1,), dtype=jnp.float32, minval=0.0, maxval=1.0)
    label_sum = jax.random.uniform(k4, (NC - 1,), dtype=jnp.float32, minval=0.1, maxval=1.0)
    return {"realinput": realinput, "reallabel": reallabel, "Wl": Wl, "label_sum": label_sum}

def reference(realinput, reallabel, Wl, label_sum):
    # For each pixel, gather the probability assigned to its true class:
    # realinput[:, i][reallabel == i]  ==  realinput[n, reallabel[n]] for label-i pixels
    n = realinput.shape[0]
    gathered = realinput[jnp.arange(n), reallabel]
    loglab = -jnp.log(gathered)
    # per-class sum of -log p over pixels of that class
    per_class = jax.ops.segment_sum(loglab, reallabel, num_segments=NC)
    counts = jnp.bincount(reallabel, length=NC)
    present = (counts > 0).astype(realinput.dtype)
    # classes 1..NC-1: Wl[i-1] * (sum(-log p_i) + 1), only if class present
    contrib = Wl * (per_class[1:] + 1.0) * present[1:]
    Lcross = jnp.sum(contrib) / jnp.sum(label_sum)
    return Lcross

if __name__ == "__main__":
    import jax
    _d = setup_inputs()
    print(jax.jit(kernel)(*tuple(_d.values())))

</pallas_src>

<mosaic_0001>
#map = affine_map<(d0, d1) -> (0, 0)>
#map1 = affine_map<(d0, d1) -> (0)>
#map2 = affine_map<(d0, d1) -> (0, 0, 0)>
module attributes {stable_mosaic.version = 14 : i64} {
  func.func @_sc_body(%arg0: i32, %arg1: i32, %arg2: memref<21x1048576xf32, #tpu.memory_space<hbm>>, %arg3: memref<1048576xi32, #tpu.memory_space<hbm>>, %arg4: memref<32x21x16xf32, #tpu.memory_space<hbm>>, %arg5: memref<32x21x16xf32, #tpu.memory_space<hbm>>, %arg6: memref<21x1024xf32, #tpu.memory_space<vmem>>, %arg7: memref<21x1024xf32, #tpu.memory_space<vmem>>, %arg8: memref<21x1024xf32, #tpu.memory_space<vmem>>, %arg9: memref<21x1024xf32, #tpu.memory_space<vmem>>, %arg10: memref<1024xi32, #tpu.memory_space<vmem>>, %arg11: memref<1024xi32, #tpu.memory_space<vmem>>, %arg12: memref<1024xi32, #tpu.memory_space<vmem>>, %arg13: memref<1024xi32, #tpu.memory_space<vmem>>, %arg14: memref<21x16xf32, #tpu.memory_space<vmem>>, %arg15: memref<21x16xf32, #tpu.memory_space<vmem>>, %arg16: memref<!tpu.dma_semaphore, #tpu.memory_space<semaphore_mem>>, %arg17: memref<!tpu.dma_semaphore, #tpu.memory_space<semaphore_mem>>, %arg18: memref<!tpu.dma_semaphore, #tpu.memory_space<semaphore_mem>>, %arg19: memref<!tpu.dma_semaphore, #tpu.memory_space<semaphore_mem>>, %arg20: memref<!tpu.dma_semaphore, #tpu.memory_space<semaphore_mem>>, %arg21: memref<!tpu.dma_semaphore, #tpu.memory_space<semaphore_mem>>, %arg22: memref<!tpu.dma_semaphore, #tpu.memory_space<semaphore_mem>>, %arg23: memref<!tpu.dma_semaphore, #tpu.memory_space<semaphore_mem>>) attributes {dimension_semantics = [#tpu.dimension_semantics<core_parallel>, #tpu.dimension_semantics<subcore_parallel>], iteration_bounds = array<i64: 2, 16>, scalar_prefetch = 0 : i64, scratch_operands = 18 : i64, tpu.core_type = #tpu.core_type<sc_vector_subcore>, window_params = [{transform_indices = #map}, {transform_indices = #map1}, {transform_indices = #map2}, {transform_indices = #map2}]} {
    %mul3A = arith.constant 2 : i32
    %mul3A_0 = arith.muli %arg1, %mul3A : i32
    %add3A = arith.addi %mul3A_0, %arg0 : i32
    %mul3A_1 = arith.constant 32768 : i32
    %mul3A_2 = arith.muli %add3A, %mul3A_1 : i32
    %broadcast_in_dim3A = arith.constant 0.000000e+00 : f32
    %broadcast_in_dim3A_3 = vector.broadcast %broadcast_in_dim3A : f32 to vector<16xf32>
    %swap3A = arith.constant 0 : i32
    %swap3A_4 = arith.index_cast %swap3A : i32 to index
    %swap3A_5 = arith.constant 0 : index
    %swap3A_6 = tpu.vector_load %arg14[%swap3A_4, %swap3A_5] {strides = array<i32>} : memref<21x16xf32, #tpu.memory_space<vmem>>, vector<16xf32>,
    tpu.vector_store %arg14[%swap3A_4, %swap3A_5], %broadcast_in_dim3A_3 {strides = array<i32>} : memref<21x16xf32, #tpu.memory_space<vmem>>, vector<16xf32>,
    %swap3A_7 = arith.constant 0 : i32
    %swap3A_8 = arith.index_cast %swap3A_7 : i32 to index
    %swap3A_9 = arith.constant 0 : index
    %swap3A_10 = tpu.vector_load %arg15[%swap3A_8, %swap3A_9] {strides = array<i32>} : memref<21x16xf32, #tpu.memory_space<vmem>>, vector<16xf32>,
    tpu.vector_store %arg15[%swap3A_8, %swap3A_9], %broadcast_in_dim3A_3 {strides = array<i32>} : memref<21x16xf32, #tpu.memory_space<vmem>>, vector<16xf32>,
    %swap3A_11 = arith.constant 1 : i32
    %swap3A_12 = arith.index_cast %swap3A_11 : i32 to index
    %swap3A_13 = arith.constant 0 : index
    %swap3A_14 = tpu.vector_load %arg14[%swap3A_12, %swap3A_13] {strides = array<i32>} : memref<21x16xf32, #tpu.memory_space<vmem>>, vector<16xf32>,
    tpu.vector_store %arg14[%swap3A_12, %swap3A_13], %broadcast_in_dim3A_3 {strides = array<i32>} : memref<21x16xf32, #tpu.memory_space<vmem>>, vector<16xf32>,
    %swap3A_15 = arith.constant 1 : i32
    %swap3A_16 = arith.index_cast %swap3A_15 : i32 to index
    %swap3A_17 = arith.constant 0 : index
    %swap3A_18 = tpu.vector_load %arg15[%swap3A_16, %swap3A_17] {strides = array<i32>} : memref<21x16xf32, #tpu.memory_space<vmem>>, vector<16xf32>,
    tpu.vector_store %arg15[%swap3A_16, %swap3A_17], %broadcast_in_dim3A_3 {strides = array<i32>} : memref<21x16xf32, #tpu.memory_space<vmem>>, vector<16xf32>,
    %swap3A_19 = arith.constant 2 : i32
    %swap3A_20 = arith.index_cast %swap3A_19 : i32 to index
    %swap3A_21 = arith.constant 0 : index
    %swap3A_22 = tpu.vector_load %arg14[%swap3A_20, %swap3A_21] {strides = array<i32>} : memref<21x16xf32, #tpu.memory_space<vmem>>, vector<16xf32>,
    tpu.vector_store %arg14[%swap3A_20, %swap3A_21], %broadcast_in_dim3A_3 {strides = array<i32>} : memref<21x16xf32, #tpu.memory_space<vmem>>, vector<16xf32>,
    %swap3A_23 = arith.constant 2 : i32
    %swap3A_24 = arith.index_cast %swap3A_23 : i32 to index
    %swap3A_25 = arith.constant 0 : index
    %swap3A_26 = tpu.vector_load %arg15[%swap3A_24, %swap3A_25] {strides = array<i32>} : memref<21x16xf32, #tpu.memory_space<vmem>>, vector<16xf32>,
    tpu.vector_store %arg15[%swap3A_24, %swap3A_25], %broadcast_in_dim3A_3 {strides = array<i32>} : memref<21x16xf32, #tpu.memory_space<vmem>>, vector<16xf32>,
    %swap3A_27 = arith.constant 3 : i32
    %swap3A_28 = arith.index_cast %swap3A_27 : i32 to index
    %swap3A_29 = arith.constant 0 : index
    %swap3A_30 = tpu.vector_load %arg14[%swap3A_28, %swap3A_29] {strides = array<i32>} : memref<21x16xf32, #tpu.memory_space<vmem>>, vector<16xf32>,
    tpu.vector_store %arg14[%swap3A_28, %swap3A_29], %broadcast_in_dim3A_3 {strides = array<i32>} : memref<21x16xf32, #tpu.memory_space<vmem>>, vector<16xf32>,
    %swap3A_31 = arith.constant 3 : i32
    %swap3A_32 = arith.index_cast %swap3A_31 : i32 to index
    %swap3A_33 = arith.constant 0 : index
    %swap3A_34 = tpu.vector_load %arg15[%swap3A_32, %swap3A_33] {strides = array<i32>} : memref<21x16xf32, #tpu.memory_space<vmem>>, vector<16xf32>,
    tpu.vector_store %arg15[%swap3A_32, %swap3A_33], %broadcast_in_dim3A_3 {strides = array<i32>} : memref<21x16xf32, #tpu.memory_space<vmem>>, vector<16xf32>,
    %swap3A_35 = arith.constant 4 : i32
    %swap3A_36 = arith.index_cast %swap3A_35 : i32 to index
    %swap3A_37 = arith.constant 0 : index
    %swap3A_38 = tpu.vector_load %arg14[%swap3A_36, %swap3A_37] {strides = array<i32>} : memref<21x16xf32, #tpu.memory_space<vmem>>, vector<16xf32>,
    tpu.vector_store %arg14[%swap3A_36, %swap3A_37], %broadcast_in_dim3A_3 {strides = array<i32>} : memref<21x16xf32, #tpu.memory_space<vmem>>, vector<16xf32>,
    %swap3A_39 = arith.constant 4 : i32
    %swap3A_40 = arith.index_cast %swap3A_39 : i32 to index
    %swap3A_41 = arith.constant 0 : index
    %swap3A_42 = tpu.vector_load %arg15[%swap3A_40, %swap3A_41] {strides = array<i32>} : memref<21x16xf32, #tpu.memory_space<vmem>>, vector<16xf32>,
    tpu.vector_store %arg15[%swap3A_40, %swap3A_41], %broadcast_in_dim3A_3 {strides = array<i32>} : memref<21x16xf32, #tpu.memory_space<vmem>>, vector<16xf32>,
    %swap3A_43 = arith.constant 5 : i32
    %swap3A_44 = arith.index_cast %swap3A_43 : i32 to index
    %swap3A_45 = arith.constant 0 : index
    %swap3A_46 = tpu.vector_load %arg14[%swap3A_44, %swap3A_45] {strides = array<i32>} : memref<21x16xf32, #tpu.memory_space<vmem>>, vector<16xf32>,
    tpu.vector_store %arg14[%swap3A_44, %swap3A_45], %broadcast_in_dim3A_3 {strides = array<i32>} : memref<21x16xf32, #tpu.memory_space<vmem>>, vector<16xf32>,
    %swap3A_47 = arith.constant 5 : i32
    %swap3A_48 = arith.index_cast %swap3A_47 : i32 to index
    %swap3A_49 = arith.constant 0 : index
    %swap3A_50 = tpu.vector_load %arg15[%swap3A_48, %swap3A_49] {strides = array<i32>} : memref<21x16xf32, #tpu.memory_space<vmem>>, vector<16xf32>,
    tpu.vector_store %arg15[%swap3A_48, %swap3A_49], %broadcast_in_dim3A_3 {strides = array<i32>} : memref<21x16xf32, #tpu.memory_space<vmem>>, vector<16xf32>,
    %swap3A_51 = arith.constant 6 : i32
    %swap3A_52 = arith.index_cast %swap3A_51 : i32 to index
    %swap3A_53 = arith.constant 0 : index
    %swap3A_54 = tpu.vector_load %arg14[%swap3A_52, %swap3A_53] {strides = array<i32>} : memref<21x16xf32, #tpu.memory_space<vmem>>, vector<16xf32>,
    tpu.vector_store %arg14[%swap3A_52, %swap3A_53], %broadcast_in_dim3A_3 {strides = array<i32>} : memref<21x16xf32, #tpu.memory_space<vmem>>, vector<16xf32>,
    %swap3A_55 = arith.constant 6 : i32
    %swap3A_56 = arith.index_cast %swap3A_55 : i32 to index
    %swap3A_57 = arith.constant 0 : index
    %swap3A_58 = tpu.vector_load %arg15[%swap3A_56, %swap3A_57] {strides = array<i32>} : memref<21x16xf32, #tpu.memory_space<vmem>>, vector<16xf32>,
    tpu.vector_store %arg15[%swap3A_56, %swap3A_57], %broadcast_in_dim3A_3 {strides = array<i32>} : memref<21x16xf32, #tpu.memory_space<vmem>>, vector<16xf32>,
    %swap3A_59 = arith.constant 7 : i32
    %swap3A_60 = arith.index_cast %swap3A_59 : i32 to index
    %swap3A_61 = arith.constant 0 : index
    %swap3A_62 = tpu.vector_load %arg14[%swap3A_60, %swap3A_61] {strides = array<i32>} : memref<21x16xf32, #tpu.memory_space<vmem>>, vector<16xf32>,
    tpu.vector_store %arg14[%swap3A_60, %swap3A_61], %broadcast_in_dim3A_3 {strides = array<i32>} : memref<21x16xf32, #tpu.memory_space<vmem>>, vector<16xf32>,
    %swap3A_63 = arith.constant 7 : i32
    %swap3A_64 = arith.index_cast %swap3A_63 : i32 to index
    %swap3A_65 = arith.constant 0 : index
    %swap3A_66 = tpu.vector_load %arg15[%swap3A_64, %swap3A_65] {strides = array<i32>} : memref<21x16xf32, #tpu.memory_space<vmem>>, vector<16xf32>,
    tpu.vector_store %arg15[%swap3A_64, %swap3A_65], %broadcast_in_dim3A_3 {strides = array<i32>} : memref<21x16xf32, #tpu.memory_space<vmem>>, vector<16xf32>,
    %swap3A_67 = arith.constant 8 : i32
    %swap3A_68 = arith.index_cast %swap3A_67 : i32 to index
    %swap3A_69 = arith.constant 0 : index
    %swap3A_70 = tpu.vector_load %arg14[%swap3A_68, %swap3A_69] {strides = array<i32>} : memref<21x16xf32, #tpu.memory_space<vmem>>, vector<16xf32>,
    tpu.vector_store %arg14[%swap3A_68, %swap3A_69], %broadcast_in_dim3A_3 {strides = array<i32>} : memref<21x16xf32, #tpu.memory_space<vmem>>, vector<16xf32>,
    %swap3A_71 = arith.constant 8 : i32
    %swap3A_72 = arith.index_cast %swap3A_71 : i32 to index
    %swap3A_73 = arith.constant 0 : index
    %swap3A_74 = tpu.vector_load %arg15[%swap3A_72, %swap3A_73] {strides = array<i32>} : memref<21x16xf32, #tpu.memory_space<vmem>>, vector<16xf32>,
    tpu.vector_store %arg15[%swap3A_72, %swap3A_73], %broadcast_in_dim3A_3 {strides = array<i32>} : memref<21x16xf32, #tpu.memory_space<vmem>>, vector<16xf32>,
    %swap3A_75 = arith.constant 9 : i32
    %swap3A_76 = arith.index_cast %swap3A_75 : i32 to index
    %swap3A_77 = arith.constant 0 : index
    %swap3A_78 = tpu.vector_load %arg14[%swap3A_76, %swap3A_77] {strides = array<i32>} : memref<21x16xf32, #tpu.memory_space<vmem>>, vector<16xf32>,
    tpu.vector_store %arg14[%swap3A_76, %swap3A_77], %broadcast_in_dim3A_3 {strides = array<i32>} : memref<21x16xf32, #tpu.memory_space<vmem>>, vector<16xf32>,
    %swap3A_79 = arith.constant 9 : i32
    %swap3A_80 = arith.index_cast %swap3A_79 : i32 to index
    %swap3A_81 = arith.constant 0 : index
    %swap3A_82 = tpu.vector_load %arg15[%swap3A_80, %swap3A_81] {strides = array<i32>} : memref<21x16xf32, #tpu.memory_space<vmem>>, vector<16xf32>,
    tpu.vector_store %arg15[%swap3A_80, %swap3A_81], %broadcast_in_dim3A_3 {strides = array<i32>} : memref<21x16xf32, #tpu.memory_space<vmem>>, vector<16xf32>,
    %swap3A_83 = arith.constant 10 : i32
    %swap3A_84 = arith.index_cast %swap3A_83 : i32 to index
    %swap3A_85 = arith.constant 0 : index
    %swap3A_86 = tpu.vector_load %arg14[%swap3A_84, %swap3A_85] {strides = array<i32>} : memref<21x16xf32, #tpu.memory_space<vmem>>, vector<16xf32>,
    tpu.vector_store %arg14[%swap3A_84, %swap3A_85], %broadcast_in_dim3A_3 {strides = array<i32>} : memref<21x16xf32, #tpu.memory_space<vmem>>, vector<16xf32>,
    %swap3A_87 = arith.constant 10 : i32
    %swap3A_88 = arith.index_cast %swap3A_87 : i32 to index
    %swap3A_89 = arith.constant 0 : index
    %swap3A_90 = tpu.vector_load %arg15[%swap3A_88, %swap3A_89] {strides = array<i32>} : memref<21x16xf32, #tpu.memory_space<vmem>>, vector<16xf32>,
    tpu.vector_store %arg15[%swap3A_88, %swap3A_89], %broadcast_in_dim3A_3 {strides = array<i32>} : memref<21x16xf32, #tpu.memory_space<vmem>>, vector<16xf32>,
    %swap3A_91 = arith.constant 11 : i32
    %swap3A_92 = arith.index_cast %swap3A_91 : i32 to index
    %swap3A_93 = arith.constant 0 : index
    %swap3A_94 = tpu.vector_load %arg14[%swap3A_92, %swap3A_93] {strides = array<i32>} : memref<21x16xf32, #tpu.memory_space<vmem>>, vector<16xf32>,
    tpu.vector_store %arg14[%swap3A_92, %swap3A_93], %broadcast_in_dim3A_3 {strides = array<i32>} : memref<21x16xf32, #tpu.memory_space<vmem>>, vector<16xf32>,
    %swap3A_95 = arith.constant 11 : i32
    %swap3A_96 = arith.index_cast %swap3A_95 : i32 to index
    %swap3A_97 = arith.constant 0 : index
    %swap3A_98 = tpu.vector_load %arg15[%swap3A_96, %swap3A_97] {strides = array<i32>} : memref<21x16xf32, #tpu.memory_space<vmem>>, vector<16xf32>,
    tpu.vector_store %arg15[%swap3A_96, %swap3A_97], %broadcast_in_dim3A_3 {strides = array<i32>} : memref<21x16xf32, #tpu.memory_space<vmem>>, vector<16xf32>,
    %swap3A_99 = arith.constant 12 : i32
    %swap3A_100 = arith.index_cast %swap3A_99 : i32 to index
    %swap3A_101 = arith.constant 0 : index
    %swap3A_102 = tpu.vector_load %arg14[%swap3A_100, %swap3A_101] {strides = array<i32>} : memref<21x16xf32, #tpu.memory_space<vmem>>, vector<16xf32>,
    tpu.vector_store %arg14[%swap3A_100, %swap3A_101], %broadcast_in_dim3A_3 {strides = array<i32>} : memref<21x16xf32, #tpu.memory_space<vmem>>, vector<16xf32>,
    %swap3A_103 = arith.constant 12 : i32
    %swap3A_104 = arith.index_cast %swap3A_103 : i32 to index
    %swap3A_105 = arith.constant 0 : index
    %swap3A_106 = tpu.vector_load %arg15[%swap3A_104, %swap3A_105] {strides = array<i32>} : memref<21x16xf32, #tpu.memory_space<vmem>>, vector<16xf32>,
    tpu.vector_store %arg15[%swap3A_104, %swap3A_105], %broadcast_in_dim3A_3 {strides = array<i32>} : memref<21x16xf32, #tpu.memory_space<vmem>>, vector<16xf32>,
    %swap3A_107 = arith.constant 13 : i32
    %swap3A_108 = arith.index_cast %swap3A_107 : i32 to index
    %swap3A_109 = arith.constant 0 : index
    %swap3A_110 = tpu.vector_load %arg14[%swap3A_108, %swap3A_109] {strides = array<i32>} : memref<21x16xf32, #tpu.memory_space<vmem>>, vector<16xf32>,
    tpu.vector_store %arg14[%swap3A_108, %swap3A_109], %broadcast_in_dim3A_3 {strides = array<i32>} : memref<21x16xf32, #tpu.memory_space<vmem>>, vector<16xf32>,
    %swap3A_111 = arith.constant 13 : i32
    %swap3A_112 = arith.index_cast %swap3A_111 : i32 to index
    %swap3A_113 = arith.constant 0 : index
    %swap3A_114 = tpu.vector_load %arg15[%swap3A_112, %swap3A_113] {strides = array<i32>} : memref<21x16xf32, #tpu.memory_space<vmem>>, vector<16xf32>,
    tpu.vector_store %arg15[%swap3A_112, %swap3A_113], %broadcast_in_dim3A_3 {strides = array<i32>} : memref<21x16xf32, #tpu.memory_space<vmem>>, vector<16xf32>,
    %swap3A_115 = arith.constant 14 : i32
    %swap3A_116 = arith.index_cast %swap3A_115 : i32 to index
    %swap3A_117 = arith.constant 0 : index
    %swap3A_118 = tpu.vector_load %arg14[%swap3A_116, %swap3A_117] {strides = array<i32>} : memref<21x16xf32, #tpu.memory_space<vmem>>, vector<16xf32>,
    tpu.vector_store %arg14[%swap3A_116, %swap3A_117], %broadcast_in_dim3A_3 {strides = array<i32>} : memref<21x16xf32, #tpu.memory_space<vmem>>, vector<16xf32>,
    %swap3A_119 = arith.constant 14 : i32
    %swap3A_120 = arith.index_cast %swap3A_119 : i32 to index
    %swap3A_121 = arith.constant 0 : index
    %swap3A_122 = tpu.vector_load %arg15[%swap3A_120, %swap3A_121] {strides = array<i32>} : memref<21x16xf32, #tpu.memory_space<vmem>>, vector<16xf32>,
    tpu.vector_store %arg15[%swap3A_120, %swap3A_121], %broadcast_in_dim3A_3 {strides = array<i32>} : memref<21x16xf32, #tpu.memory_space<vmem>>, vector<16xf32>,
    %swap3A_123 = arith.constant 15 : i32
    %swap3A_124 = arith.index_cast %swap3A_123 : i32 to index
    %swap3A_125 = arith.constant 0 : index
    %swap3A_126 = tpu.vector_load %arg14[%swap3A_124, %swap3A_125] {strides = array<i32>} : memref<21x16xf32, #tpu.memory_space<vmem>>, vector<16xf32>,
    tpu.vector_store %arg14[%swap3A_124, %swap3A_125], %broadcast_in_dim3A_3 {strides = array<i32>} : memref<21x16xf32, #tpu.memory_space<vmem>>, vector<16xf32>,
    %swap3A_127 = arith.constant 15 : i32
    %swap3A_128 = arith.index_cast %swap3A_127 : i32 to index
    %swap3A_129 = arith.constant 0 : index
    %swap3A_130 = tpu.vector_load %arg15[%swap3A_128, %swap3A_129] {strides = array<i32>} : memref<21x16xf32, #tpu.memory_space<vmem>>, vector<16xf32>,
    tpu.vector_store %arg15[%swap3A_128, %swap3A_129], %broadcast_in_dim3A_3 {strides = array<i32>} : memref<21x16xf32, #tpu.memory_space<vmem>>, vector<16xf32>,
    %swap3A_131 = arith.constant 16 : i32
    %swap3A_132 = arith.index_cast %swap3A_131 : i32 to index
    %swap3A_133 = arith.constant 0 : index
    %swap3A_134 = tpu.vector_load %arg14[%swap3A_132, %swap3A_133] {strides = array<i32>} : memref<21x16xf32, #tpu.memory_space<vmem>>, vector<16xf32>,
    tpu.vector_store %arg14[%swap3A_132, %swap3A_133], %broadcast_in_dim3A_3 {strides = array<i32>} : memref<21x16xf32, #tpu.memory_space<vmem>>, vector<16xf32>,
    %swap3A_135 = arith.constant 16 : i32
    %swap3A_136 = arith.index_cast %swap3A_135 : i32 to index
    %swap3A_137 = arith.constant 0 : index
    %swap3A_138 = tpu.vector_load %arg15[%swap3A_136, %swap3A_137] {strides = array<i32>} : memref<21x16xf32, #tpu.memory_space<vmem>>, vector<16xf32>,
    tpu.vector_store %arg15[%swap3A_136, %swap3A_137], %broadcast_in_dim3A_3 {strides = array<i32>} : memref<21x16xf32, #tpu.memory_space<vmem>>, vector<16xf32>,
    %swap3A_139 = arith.constant 17 : i32
    %swap3A_140 = arith.index_cast %swap3A_139 : i32 to index
    %swap3A_141 = arith.constant 0 : index
    %swap3A_142 = tpu.vector_load %arg14[%swap3A_140, %swap3A_141] {strides = array<i32>} : memref<21x16xf32, #tpu.memory_space<vmem>>, vector<16xf32>,
    tpu.vector_store %arg14[%swap3A_140, %swap3A_141], %broadcast_in_dim3A_3 {strides = array<i32>} : memref<21x16xf32, #tpu.memory_space<vmem>>, vector<16xf32>,
    %swap3A_143 = arith.constant 17 : i32
    %swap3A_144 = arith.index_cast %swap3A_143 : i32 to index
    %swap3A_145 = arith.constant 0 : index
    %swap3A_146 = tpu.vector_load %arg15[%swap3A_144, %swap3A_145] {strides = array<i32>} : memref<21x16xf32, #tpu.memory_space<vmem>>, vector<16xf32>,
    tpu.vector_store %arg15[%swap3A_144, %swap3A_145], %broadcast_in_dim3A_3 {strides = array<i32>} : memref<21x16xf32, #tpu.memory_space<vmem>>, vector<16xf32>,
    %swap3A_147 = arith.constant 18 : i32
    %swap3A_148 = arith.index_cast %swap3A_147 : i32 to index
    %swap3A_149 = arith.constant 0 : index
    %swap3A_150 = tpu.vector_load %arg14[%swap3A_148, %swap3A_149] {strides = array<i32>} : memref<21x16xf32, #tpu.memory_space<vmem>>, vector<16xf32>,
    tpu.vector_store %arg14[%swap3A_148, %swap3A_149], %broadcast_in_dim3A_3 {strides = array<i32>} : memref<21x16xf32, #tpu.memory_space<vmem>>, vector<16xf32>,
    %swap3A_151 = arith.constant 18 : i32
    %swap3A_152 = arith.index_cast %swap3A_151 : i32 to index
    %swap3A_153 = arith.constant 0 : index
    %swap3A_154 = tpu.vector_load %arg15[%swap3A_152, %swap3A_153] {strides = array<i32>} : memref<21x16xf32, #tpu.memory_space<vmem>>, vector<16xf32>,
    tpu.vector_store %arg15[%swap3A_152, %swap3A_153], %broadcast_in_dim3A_3 {strides = array<i32>} : memref<21x16xf32, #tpu.memory_space<vmem>>, vector<16xf32>,
    %swap3A_155 = arith.constant 19 : i32
    %swap3A_156 = arith.index_cast %swap3A_155 : i32 to index
    %swap3A_157 = arith.constant 0 : index
    %swap3A_158 = tpu.vector_load %arg14[%swap3A_156, %swap3A_157] {strides = array<i32>} : memref<21x16xf32, #tpu.memory_space<vmem>>, vector<16xf32>,
    tpu.vector_store %arg14[%swap3A_156, %swap3A_157], %broadcast_in_dim3A_3 {strides = array<i32>} : memref<21x16xf32, #tpu.memory_space<vmem>>, vector<16xf32>,
    %swap3A_159 = arith.constant 19 : i32
    %swap3A_160 = arith.index_cast %swap3A_159 : i32 to index
    %swap3A_161 = arith.constant 0 : index
    %swap3A_162 = tpu.vector_load %arg15[%swap3A_160, %swap3A_161] {strides = array<i32>} : memref<21x16xf32, #tpu.memory_space<vmem>>, vector<16xf32>,
    tpu.vector_store %arg15[%swap3A_160, %swap3A_161], %broadcast_in_dim3A_3 {strides = array<i32>} : memref<21x16xf32, #tpu.memory_space<vmem>>, vector<16xf32>,
    %swap3A_163 = arith.constant 20 : i32
    %swap3A_164 = arith.index_cast %swap3A_163 : i32 to index
    %swap3A_165 = arith.constant 0 : index
    %swap3A_166 = tpu.vector_load %arg14[%swap3A_164, %swap3A_165] {strides = array<i32>} : memref<21x16xf32, #tpu.memory_space<vmem>>, vector<16xf32>,
    tpu.vector_store %arg14[%swap3A_164, %swap3A_165], %broadcast_in_dim3A_3 {strides = array<i32>} : memref<21x16xf32, #tpu.memory_space<vmem>>, vector<16xf32>,
    %swap3A_167 = arith.constant 20 : i32
    %swap3A_168 = arith.index_cast %swap3A_167 : i32 to index
    %swap3A_169 = arith.constant 0 : index
    %swap3A_170 = tpu.vector_load %arg15[%swap3A_168, %swap3A_169] {strides = array<i32>} : memref<21x16xf32, #tpu.memory_space<vmem>>, vector<16xf32>,
    tpu.vector_store %arg15[%swap3A_168, %swap3A_169], %broadcast_in_dim3A_3 {strides = array<i32>} : memref<21x16xf32, #tpu.memory_space<vmem>>, vector<16xf32>,
    %iota3A = tpu.iota {dimensions = array<i32: 0>} : vector<16xi32>
    %broadcast_in_dim3A_171 = arith.constant 1.000000e+00 : f32
    %broadcast_in_dim3A_172 = vector.broadcast %broadcast_in_dim3A_171 : f32 to vector<16xf32>
    %add3A_173 = arith.constant 0 : i32
    %add3A_174 = arith.addi %mul3A_2, %add3A_173 : i32
    %dma_start3A = arith.constant 0 : i32
    %dma_start3A_175 = tpu.memref_slice %arg2[%dma_start3A, %add3A_174] : memref<21x1048576xf32, #tpu.memory_space<hbm>> -> memref<21x1024xf32, #tpu.memory_space<hbm>>
    %dma_start3A_176 = arith.constant 0 : i32
    %dma_start3A_177 = tpu.memref_slice %arg2[%dma_start3A_176, %add3A_174] : memref<21x1048576xf32, #tpu.memory_space<hbm>> -> memref<21x1024xf32, #tpu.memory_space<hbm>>
    tpu.enqueue_dma source(%dma_start3A_177 : memref<21x1024xf32, #tpu.memory_space<hbm>>) target(%arg6 : memref<21x1024xf32, #tpu.memory_space<vmem>>) target_semaphore(%arg16 : memref<!tpu.dma_semaphore, #tpu.memory_space<semaphore_mem>>)
    %dma_start3A_178 = tpu.memref_slice %arg3[%add3A_174] : memref<1048576xi32, #tpu.memory_space<hbm>> -> memref<1024xi32, #tpu.memory_space<hbm>>
    %dma_start3A_179 = tpu.memref_slice %arg3[%add3A_174] : memref<1048576xi32, #tpu.memory_space<hbm>> -> memref<1024xi32, #tpu.memory_space<hbm>>
    tpu.enqueue_dma source(%dma_start3A_179 : memref<1024xi32, #tpu.memory_space<hbm>>) target(%arg10 : memref<1024xi32, #tpu.memory_space<vmem>>) target_semaphore(%arg20 : memref<!tpu.dma_semaphore, #tpu.memory_space<semaphore_mem>>)
    %add3A_180 = arith.constant 1024 : i32
    %add3A_181 = arith.addi %mul3A_2, %add3A_180 : i32
    %dma_start3A_182 = arith.constant 0 : i32
    %dma_start3A_183 = tpu.memref_slice %arg2[%dma_start3A_182, %add3A_181] : memref<21x1048576xf32, #tpu.memory_space<hbm>> -> memref<21x1024xf32, #tpu.memory_space<hbm>>
    %dma_start3A_184 = arith.constant 0 : i32
    %dma_start3A_185 = tpu.memref_slice %arg2[%dma_start3A_184, %add3A_181] : memref<21x1048576xf32, #tpu.memory_space<hbm>> -> memref<21x1024xf32, #tpu.memory_space<hbm>>
    tpu.enqueue_dma source(%dma_start3A_185 : memref<21x1024xf32, #tpu.memory_space<hbm>>) target(%arg7 : memref<21x1024xf32, #tpu.memory_space<vmem>>) target_semaphore(%arg17 : memref<!tpu.dma_semaphore, #tpu.memory_space<semaphore_mem>>)
    %dma_start3A_186 = tpu.memref_slice %arg3[%add3A_181] : memref<1048576xi32, #tpu.memory_space<hbm>> -> memref<1024xi32, #tpu.memory_space<hbm>>
    %dma_start3A_187 = tpu.memref_slice %arg3[%add3A_181] : memref<1048576xi32, #tpu.memory_space<hbm>> -> memref<1024xi32, #tpu.memory_space<hbm>>
    tpu.enqueue_dma source(%dma_start3A_187 : memref<1024xi32, #tpu.memory_space<hbm>>) target(%arg11 : memref<1024xi32, #tpu.memory_space<vmem>>) target_semaphore(%arg21 : memref<!tpu.dma_semaphore, #tpu.memory_space<semaphore_mem>>)
    %add3A_188 = arith.constant 2048 : i32
    %add3A_189 = arith.addi %mul3A_2, %add3A_188 : i32
    %dma_start3A_190 = arith.constant 0 : i32
    %dma_start3A_191 = tpu.memref_slice %arg2[%dma_start3A_190, %add3A_189] : memref<21x1048576xf32, #tpu.memory_space<hbm>> -> memref<21x1024xf32, #tpu.memory_space<hbm>>
    %dma_start3A_192 = arith.constant 0 : i32
    %dma_start3A_193 = tpu.memref_slice %arg2[%dma_start3A_192, %add3A_189] : memref<21x1048576xf32, #tpu.memory_space<hbm>> -> memref<21x1024xf32, #tpu.memory_space<hbm>>
    tpu.enqueue_dma source(%dma_start3A_193 : memref<21x1024xf32, #tpu.memory_space<hbm>>) target(%arg8 : memref<21x1024xf32, #tpu.memory_space<vmem>>) target_semaphore(%arg18 : memref<!tpu.dma_semaphore, #tpu.memory_space<semaphore_mem>>)
    %dma_start3A_194 = tpu.memref_slice %arg3[%add3A_189] : memref<1048576xi32, #tpu.memory_space<hbm>> -> memref<1024xi32, #tpu.memory_space<hbm>>
    %dma_start3A_195 = tpu.memref_slice %arg3[%add3A_189] : memref<1048576xi32, #tpu.memory_space<hbm>> -> memref<1024xi32, #tpu.memory_space<hbm>>
    tpu.enqueue_dma source(%dma_start3A_195 : memref<1024xi32, #tpu.memory_space<hbm>>) target(%arg12 : memref<1024xi32, #tpu.memory_space<vmem>>) target_semaphore(%arg22 : memref<!tpu.dma_semaphore, #tpu.memory_space<semaphore_mem>>)
    %scan3A = arith.constant 0 : i32
    %scan3A_196 = arith.constant 0 : i32
    %scan3A_197 = arith.constant 8 : i32
    %scan3A_198 = arith.addi %scan3A_196, %scan3A_197 : i32
    %scan3A_199 = arith.constant 1 : i32
    %scan3A_200 = scf.for %scan3A_202 = %scan3A_196 to %scan3A_198 step %scan3A_199 iter_args(%scan3A_203 = %scan3A) -> (i32)  : i32 {
      %mul3A_204 = arith.constant 4 : i32
      %mul3A_205 = arith.muli %scan3A_202, %mul3A_204 : i32
      %add3A_206 = arith.constant 0 : i32
      %add3A_207 = arith.addi %mul3A_205, %add3A_206 : i32
      %add3A_208 = arith.constant 4 : i32
      %add3A_209 = arith.addi %add3A_207, %add3A_208 : i32
      %sub3A = arith.constant 1 : i32
      %sub3A_210 = arith.subi %add3A_209, %sub3A : i32
      %lt3A = arith.constant 32 : i32
      %lt3A_211 = arith.cmpi slt, %sub3A_210, %lt3A : i32
      %convert_element_type3A = arith.extui %lt3A_211 : i1 to i32
      %cond3A = arith.constant 0 : i32
      %cond3A_212 = arith.cmpi ne, %convert_element_type3A, %cond3A : i32
      scf.if %cond3A_212 {
        %add3A_303 = arith.constant 4 : i32
        %add3A_304 = arith.addi %add3A_207, %add3A_303 : i32
        %sub3A_305 = arith.constant 1 : i32
        %sub3A_306 = arith.subi %add3A_304, %sub3A_305 : i32
        %mul3A_307 = arith.constant 1024 : i32
        %mul3A_308 = arith.muli %sub3A_306, %mul3A_307 : i32
        %add3A_309 = arith.addi %mul3A_2, %mul3A_308 : i32
        %dma_start3A_310 = arith.constant 0 : i32
        %dma_start3A_311 = tpu.memref_slice %arg2[%dma_start3A_310, %add3A_309] : memref<21x1048576xf32, #tpu.memory_space<hbm>> -> memref<21x1024xf32, #tpu.memory_space<hbm>>
        %dma_start3A_312 = arith.constant 0 : i32
        %dma_start3A_313 = tpu.memref_slice %arg2[%dma_start3A_312, %add3A_309] : memref<21x1048576xf32, #tpu.memory_space<hbm>> -> memref<21x1024xf32, #tpu.memory_space<hbm>>
        tpu.enqueue_dma source(%dma_start3A_313 : memref<21x1024xf32, #tpu.memory_space<hbm>>) target(%arg9 : memref<21x1024xf32, #tpu.memory_space<vmem>>) target_semaphore(%arg19 : memref<!tpu.dma_semaphore, #tpu.memory_space<semaphore_mem>>)
        %dma_start3A_314 = tpu.memref_slice %arg3[%add3A_309] : memref<1048576xi32, #tpu.memory_space<hbm>> -> memref<1024xi32, #tpu.memory_space<hbm>>
        %dma_start3A_315 = tpu.memref_slice %arg3[%add3A_309] : memref<1048576xi32, #tpu.memory_space<hbm>> -> memref<1024xi32, #tpu.memory_space<hbm>>
        tpu.enqueue_dma source(%dma_start3A_315 : memref<1024xi32, #tpu.memory_space<hbm>>) target(%arg13 : memref<1024xi32, #tpu.memory_space<vmem>>) target_semaphore(%arg23 : memref<!tpu.dma_semaphore, #tpu.memory_space<semaphore_mem>>)
      } else {
      }
      %dma_wait3A = arith.constant 0 : i32
      %dma_wait3A_213 = arith.constant 0 : i32
      %dma_wait3A_214 = tpu.memref_slice %arg2[%dma_wait3A, %dma_wait3A_213] : memref<21x1048576xf32, #tpu.memory_space<hbm>> -> memref<21x1024xf32, #tpu.memory_space<hbm>>
      %dma_wait3A_215 = arith.constant 0 : i32
      %dma_wait3A_216 = arith.constant 0 : i32
      %dma_wait3A_217 = tpu.memref_slice %arg2[%dma_wait3A_215, %dma_wait3A_216] : memref<21x1048576xf32, #tpu.memory_space<hbm>> -> memref<21x1024xf32, #tpu.memory_space<hbm>>
      tpu.wait_dma2 semaphore(%arg16 : memref<!tpu.dma_semaphore, #tpu.memory_space<semaphore_mem>>) src(%dma_wait3A_217 : memref<21x1024xf32, #tpu.memory_space<hbm>>) dst(%arg6 : memref<21x1024xf32, #tpu.memory_space<vmem>>)
      %dma_wait3A_218 = arith.constant 0 : i32
      %dma_wait3A_219 = tpu.memref_slice %arg3[%dma_wait3A_218] : memref<1048576xi32, #tpu.memory_space<hbm>> -> memref<1024xi32, #tpu.memory_space<hbm>>
      %dma_wait3A_220 = arith.constant 0 : i32
      %dma_wait3A_221 = tpu.memref_slice %arg3[%dma_wait3A_220] : memref<1048576xi32, #tpu.memory_space<hbm>> -> memref<1024xi32, #tpu.memory_space<hbm>>
      tpu.wait_dma2 semaphore(%arg20 : memref<!tpu.dma_semaphore, #tpu.memory_space<semaphore_mem>>) src(%dma_wait3A_221 : memref<1024xi32, #tpu.memory_space<hbm>>) dst(%arg10 : memref<1024xi32, #tpu.memory_space<vmem>>)
      %parallel_loop3A = arith.constant 0 : i32
      %parallel_loop3A_222 = arith.constant 64 : i32
      %parallel_loop3A_223 = arith.constant 1 : i32
      scf.for %parallel_loop3A_303 = %parallel_loop3A to %parallel_loop3A_222 step %parallel_loop3A_223  : i32 {
        %parallel_loop3A_304 = arith.constant 16 : i32
        %parallel_loop3A_305 = arith.muli %parallel_loop3A_303, %parallel_loop3A_304 : i32
        %parallel_loop3A_306 = arith.index_cast %parallel_loop3A_305 : i32 to index
        %parallel_loop3A_307 = tpu.vector_load %arg10[%parallel_loop3A_306] {strides = array<i32>} : memref<1024xi32, #tpu.memory_space<vmem>>, vector<16xi32>,
        %parallel_loop3A_308 = vector.broadcast %parallel_loop3A_305 : i32 to vector<16xi32>
        %parallel_loop3A_309 = arith.addi %parallel_loop3A_308, %iota3A : vector<16xi32>
        %parallel_loop3A_310 = tpu.vector_load_idx %arg6[%parallel_loop3A_307, %parallel_loop3A_309] : memref<21x1024xf32, #tpu.memory_space<vmem>>[vector<16xi32>, vector<16xi32>], vector<16xf32>,
        %parallel_loop3A_311 = vector.bitcast %parallel_loop3A_310 : vector<16xf32> to vector<16xi32>
        %parallel_loop3A_312 = arith.constant 23 : i32
        %parallel_loop3A_313 = vector.broadcast %parallel_loop3A_312 : i32 to vector<16xi32>
        %parallel_loop3A_314 = arith.shrsi %parallel_loop3A_311, %parallel_loop3A_313 : vector<16xi32>
        %parallel_loop3A_315 = arith.constant 127 : i32
        %parallel_loop3A_316 = vector.broadcast %parallel_loop3A_315 : i32 to vector<16xi32>
        %parallel_loop3A_317 = arith.subi %parallel_loop3A_314, %parallel_loop3A_316 : vector<16xi32>
        %parallel_loop3A_318 = arith.constant 8388607 : i32
        %parallel_loop3A_319 = vector.broadcast %parallel_loop3A_318 : i32 to vector<16xi32>
        %parallel_loop3A_320 = arith.andi %parallel_loop3A_311, %parallel_loop3A_319 : vector<16xi32>
        %parallel_loop3A_321 = arith.constant 1065353216 : i32
        %parallel_loop3A_322 = vector.broadcast %parallel_loop3A_321 : i32 to vector<16xi32>
        %parallel_loop3A_323 = arith.ori %parallel_loop3A_320, %parallel_loop3A_322 : vector<16xi32>
        %parallel_loop3A_324 = vector.bitcast %parallel_loop3A_323 : vector<16xi32> to vector<16xf32>
        %parallel_loop3A_325 = arith.sitofp %parallel_loop3A_317 : vector<16xi32> to vector<16xf32>
        %parallel_loop3A_326 = arith.constant 1.000000e+00 : f32
        %parallel_loop3A_327 = vector.broadcast %parallel_loop3A_326 : f32 to vector<16xf32>
        %parallel_loop3A_328 = arith.subf %parallel_loop3A_324, %parallel_loop3A_327 : vector<16xf32>
        %parallel_loop3A_329 = arith.constant 1.000000e+00 : f32
        %parallel_loop3A_330 = vector.broadcast %parallel_loop3A_329 : f32 to vector<16xf32>
        %parallel_loop3A_331 = arith.addf %parallel_loop3A_324, %parallel_loop3A_330 : vector<16xf32>
        %parallel_loop3A_332 = arith.divf %parallel_loop3A_328, %parallel_loop3A_331 : vector<16xf32>
        %parallel_loop3A_333 = arith.mulf %parallel_loop3A_332, %parallel_loop3A_332 : vector<16xf32>
        %parallel_loop3A_334 = arith.constant 0.285714298 : f32
        %parallel_loop3A_335 = vector.broadcast %parallel_loop3A_334 : f32 to vector<16xf32>
        %parallel_loop3A_336 = arith.mulf %parallel_loop3A_335, %parallel_loop3A_333 : vector<16xf32>
        %parallel_loop3A_337 = arith.constant 4.000000e-01 : f32
        %parallel_loop3A_338 = vector.broadcast %parallel_loop3A_337 : f32 to vector<16xf32>
        %parallel_loop3A_339 = arith.addf %parallel_loop3A_336, %parallel_loop3A_338 : vector<16xf32>
        %parallel_loop3A_340 = arith.mulf %parallel_loop3A_339, %parallel_loop3A_333 : vector<16xf32>
        %parallel_loop3A_341 = arith.constant 0.666666686 : f32
        %parallel_loop3A_342 = vector.broadcast %parallel_loop3A_341 : f32 to vector<16xf32>
        %parallel_loop3A_343 = arith.addf %parallel_loop3A_340, %parallel_loop3A_342 : vector<16xf32>
        %parallel_loop3A_344 = arith.mulf %parallel_loop3A_343, %parallel_loop3A_333 : vector<16xf32>
        %parallel_loop3A_345 = arith.constant 2.000000e+00 : f32
        %parallel_loop3A_346 = vector.broadcast %parallel_loop3A_345 : f32 to vector<16xf32>
        %parallel_loop3A_347 = arith.addf %parallel_loop3A_344, %parallel_loop3A_346 : vector<16xf32>
        %parallel_loop3A_348 = arith.mulf %parallel_loop3A_332, %parallel_loop3A_347 : vector<16xf32>
        %parallel_loop3A_349 = arith.constant 0.693147182 : f32
        %parallel_loop3A_350 = vector.broadcast %parallel_loop3A_349 : f32 to vector<16xf32>
        %parallel_loop3A_351 = arith.mulf %parallel_loop3A_325, %parallel_loop3A_350 : vector<16xf32>
        %parallel_loop3A_352 = arith.addf %parallel_loop3A_348, %parallel_loop3A_351 : vector<16xf32>
        tpu.vector_store_idx %arg14[%parallel_loop3A_307, %iota3A], %parallel_loop3A_352 {add = true} : memref<21x16xf32, #tpu.memory_space<vmem>>[vector<16xi32>, vector<16xi32>], vector<16xf32>,
        tpu.vector_store_idx %arg15[%parallel_loop3A_307, %iota3A], %broadcast_in_dim3A_172 {add = true} : memref<21x16xf32, #tpu.memory_space<vmem>>[vector<16xi32>, vector<16xi32>], vector<16xf32>,
      } {sc.loop_unroll_factor = 4 : i64, sc.parallel_access}
      %mul3A_224 = arith.constant 4 : i32
      %mul3A_225 = arith.muli %scan3A_202, %mul3A_224 : i32
      %add3A_226 = arith.constant 1 : i32
      %add3A_227 = arith.addi %mul3A_225, %add3A_226 : i32
      %add3A_228 = arith.constant 4 : i32
      %add3A_229 = arith.addi %add3A_227, %add3A_228 : i32
      %sub3A_230 = arith.constant 1 : i32
      %sub3A_231 = arith.subi %add3A_229, %sub3A_230 : i32
      %lt3A_232 = arith.constant 32 : i32
      %lt3A_233 = arith.cmpi slt, %sub3A_231, %lt3A_232 : i32
      %convert_element_type3A_234 = arith.extui %lt3A_233 : i1 to i32
      %cond3A_235 = arith.constant 0 : i32
      %cond3A_236 = arith.cmpi ne, %convert_element_type3A_234, %cond3A_235 : i32
      scf.if %cond3A_236 {
        %add3A_303 = arith.constant 4 : i32
        %add3A_304 = arith.addi %add3A_227, %add3A_303 : i32
        %sub3A_305 = arith.constant 1 : i32
        %sub3A_306 = arith.subi %add3A_304, %sub3A_305 : i32
        %mul3A_307 = arith.constant 1024 : i32
        %mul3A_308 = arith.muli %sub3A_306, %mul3A_307 : i32
        %add3A_309 = arith.addi %mul3A_2, %mul3A_308 : i32
        %dma_start3A_310 = arith.constant 0 : i32
        %dma_start3A_311 = tpu.memref_slice %arg2[%dma_start3A_310, %add3A_309] : memref<21x1048576xf32, #tpu.memory_space<hbm>> -> memref<21x1024xf32, #tpu.memory_space<hbm>>
        %dma_start3A_312 = arith.constant 0 : i32
        %dma_start3A_313 = tpu.memref_slice %arg2[%dma_start3A_312, %add3A_309] : memref<21x1048576xf32, #tpu.memory_space<hbm>> -> memref<21x1024xf32, #tpu.memory_space<hbm>>
        tpu.enqueue_dma source(%dma_start3A_313 : memref<21x1024xf32, #tpu.memory_space<hbm>>) target(%arg6 : memref<21x1024xf32, #tpu.memory_space<vmem>>) target_semaphore(%arg16 : memref<!tpu.dma_semaphore, #tpu.memory_space<semaphore_mem>>)
        %dma_start3A_314 = tpu.memref_slice %arg3[%add3A_309] : memref<1048576xi32, #tpu.memory_space<hbm>> -> memref<1024xi32, #tpu.memory_space<hbm>>
        %dma_start3A_315 = tpu.memref_slice %arg3[%add3A_309] : memref<1048576xi32, #tpu.memory_space<hbm>> -> memref<1024xi32, #tpu.memory_space<hbm>>
        tpu.enqueue_dma source(%dma_start3A_315 : memref<1024xi32, #tpu.memory_space<hbm>>) target(%arg10 : memref<1024xi32, #tpu.memory_space<vmem>>) target_semaphore(%arg20 : memref<!tpu.dma_semaphore, #tpu.memory_space<semaphore_mem>>)
      } else {
      }
      %dma_wait3A_237 = arith.constant 0 : i32
      %dma_wait3A_238 = arith.constant 0 : i32
      %dma_wait3A_239 = tpu.memref_slice %arg2[%dma_wait3A_237, %dma_wait3A_238] : memref<21x1048576xf32, #tpu.memory_space<hbm>> -> memref<21x1024xf32, #tpu.memory_space<hbm>>
      %dma_wait3A_240 = arith.constant 0 : i32
      %dma_wait3A_241 = arith.constant 0 : i32
      %dma_wait3A_242 = tpu.memref_slice %arg2[%dma_wait3A_240, %dma_wait3A_241] : memref<21x1048576xf32, #tpu.memory_space<hbm>> -> memref<21x1024xf32, #tpu.memory_space<hbm>>
      tpu.wait_dma2 semaphore(%arg17 : memref<!tpu.dma_semaphore, #tpu.memory_space<semaphore_mem>>) src(%dma_wait3A_242 : memref<21x1024xf32, #tpu.memory_space<hbm>>) dst(%arg7 : memref<21x1024xf32, #tpu.memory_space<vmem>>)
      %dma_wait3A_243 = arith.constant 0 : i32
      %dma_wait3A_244 = tpu.memref_slice %arg3[%dma_wait3A_243] : memref<1048576xi32, #tpu.memory_space<hbm>> -> memref<1024xi32, #tpu.memory_space<hbm>>
      %dma_wait3A_245 = arith.constant 0 : i32
      %dma_wait3A_246 = tpu.memref_slice %arg3[%dma_wait3A_245] : memref<1048576xi32, #tpu.memory_space<hbm>> -> memref<1024xi32, #tpu.memory_space<hbm>>
      tpu.wait_dma2 semaphore(%arg21 : memref<!tpu.dma_semaphore, #tpu.memory_space<semaphore_mem>>) src(%dma_wait3A_246 : memref<1024xi32, #tpu.memory_space<hbm>>) dst(%arg11 : memref<1024xi32, #tpu.memory_space<vmem>>)
      %parallel_loop3A_247 = arith.constant 0 : i32
      %parallel_loop3A_248 = arith.constant 64 : i32
      %parallel_loop3A_249 = arith.constant 1 : i32
      scf.for %parallel_loop3A_303 = %parallel_loop3A_247 to %parallel_loop3A_248 step %parallel_loop3A_249  : i32 {
        %parallel_loop3A_304 = arith.constant 16 : i32
        %parallel_loop3A_305 = arith.muli %parallel_loop3A_303, %parallel_loop3A_304 : i32
        %parallel_loop3A_306 = arith.index_cast %parallel_loop3A_305 : i32 to index
        %parallel_loop3A_307 = tpu.vector_load %arg11[%parallel_loop3A_306] {strides = array<i32>} : memref<1024xi32, #tpu.memory_space<vmem>>, vector<16xi32>,
        %parallel_loop3A_308 = vector.broadcast %parallel_loop3A_305 : i32 to vector<16xi32>
        %parallel_loop3A_309 = arith.addi %parallel_loop3A_308, %iota3A : vector<16xi32>
        %parallel_loop3A_310 = tpu.vector_load_idx %arg7[%parallel_loop3A_307, %parallel_loop3A_309] : memref<21x1024xf32, #tpu.memory_space<vmem>>[vector<16xi32>, vector<16xi32>], vector<16xf32>,
        %parallel_loop3A_311 = vector.bitcast %parallel_loop3A_310 : vector<16xf32> to vector<16xi32>
        %parallel_loop3A_312 = arith.constant 23 : i32
        %parallel_loop3A_313 = vector.broadcast %parallel_loop3A_312 : i32 to vector<16xi32>
        %parallel_loop3A_314 = arith.shrsi %parallel_loop3A_311, %parallel_loop3A_313 : vector<16xi32>
        %parallel_loop3A_315 = arith.constant 127 : i32
        %parallel_loop3A_316 = vector.broadcast %parallel_loop3A_315 : i32 to vector<16xi32>
        %parallel_loop3A_317 = arith.subi %parallel_loop3A_314, %parallel_loop3A_316 : vector<16xi32>
        %parallel_loop3A_318 = arith.constant 8388607 : i32
        %parallel_loop3A_319 = vector.broadcast %parallel_loop3A_318 : i32 to vector<16xi32>
        %parallel_loop3A_320 = arith.andi %parallel_loop3A_311, %parallel_loop3A_319 : vector<16xi32>
        %parallel_loop3A_321 = arith.constant 1065353216 : i32
        %parallel_loop3A_322 = vector.broadcast %parallel_loop3A_321 : i32 to vector<16xi32>
        %parallel_loop3A_323 = arith.ori %parallel_loop3A_320, %parallel_loop3A_322 : vector<16xi32>
        %parallel_loop3A_324 = vector.bitcast %parallel_loop3A_323 : vector<16xi32> to vector<16xf32>
        %parallel_loop3A_325 = arith.sitofp %parallel_loop3A_317 : vector<16xi32> to vector<16xf32>
        %parallel_loop3A_326 = arith.constant 1.000000e+00 : f32
        %parallel_loop3A_327 = vector.broadcast %parallel_loop3A_326 : f32 to vector<16xf32>
        %parallel_loop3A_328 = arith.subf %parallel_loop3A_324, %parallel_loop3A_327 : vector<16xf32>
        %parallel_loop3A_329 = arith.constant 1.000000e+00 : f32
        %parallel_loop3A_330 = vector.broadcast %parallel_loop3A_329 : f32 to vector<16xf32>
        %parallel_loop3A_331 = arith.addf %parallel_loop3A_324, %parallel_loop3A_330 : vector<16xf32>
        %parallel_loop3A_332 = arith.divf %parallel_loop3A_328, %parallel_loop3A_331 : vector<16xf32>
        %parallel_loop3A_333 = arith.mulf %parallel_loop3A_332, %parallel_loop3A_332 : vector<16xf32>
        %parallel_loop3A_334 = arith.constant 0.285714298 : f32
        %parallel_loop3A_335 = vector.broadcast %parallel_loop3A_334 : f32 to vector<16xf32>
        %parallel_loop3A_336 = arith.mulf %parallel_loop3A_335, %parallel_loop3A_333 : vector<16xf32>
        %parallel_loop3A_337 = arith.constant 4.000000e-01 : f32
        %parallel_loop3A_338 = vector.broadcast %parallel_loop3A_337 : f32 to vector<16xf32>
        %parallel_loop3A_339 = arith.addf %parallel_loop3A_336, %parallel_loop3A_338 : vector<16xf32>
        %parallel_loop3A_340 = arith.mulf %parallel_loop3A_339, %parallel_loop3A_333 : vector<16xf32>
        %parallel_loop3A_341 = arith.constant 0.666666686 : f32
        %parallel_loop3A_342 = vector.broadcast %parallel_loop3A_341 : f32 to vector<16xf32>
        %parallel_loop3A_343 = arith.addf %parallel_loop3A_340, %parallel_loop3A_342 : vector<16xf32>
        %parallel_loop3A_344 = arith.mulf %parallel_loop3A_343, %parallel_loop3A_333 : vector<16xf32>
        %parallel_loop3A_345 = arith.constant 2.000000e+00 : f32
        %parallel_loop3A_346 = vector.broadcast %parallel_loop3A_345 : f32 to vector<16xf32>
        %parallel_loop3A_347 = arith.addf %parallel_loop3A_344, %parallel_loop3A_346 : vector<16xf32>
        %parallel_loop3A_348 = arith.mulf %parallel_loop3A_332, %parallel_loop3A_347 : vector<16xf32>
        %parallel_loop3A_349 = arith.constant 0.693147182 : f32
        %parallel_loop3A_350 = vector.broadcast %parallel_loop3A_349 : f32 to vector<16xf32>
        %parallel_loop3A_351 = arith.mulf %parallel_loop3A_325, %parallel_loop3A_350 : vector<16xf32>
        %parallel_loop3A_352 = arith.addf %parallel_loop3A_348, %parallel_loop3A_351 : vector<16xf32>
        tpu.vector_store_idx %arg14[%parallel_loop3A_307, %iota3A], %parallel_loop3A_352 {add = true} : memref<21x16xf32, #tpu.memory_space<vmem>>[vector<16xi32>, vector<16xi32>], vector<16xf32>,
        tpu.vector_store_idx %arg15[%parallel_loop3A_307, %iota3A], %broadcast_in_dim3A_172 {add = true} : memref<21x16xf32, #tpu.memory_space<vmem>>[vector<16xi32>, vector<16xi32>], vector<16xf32>,
      } {sc.loop_unroll_factor = 4 : i64, sc.parallel_access}
      %mul3A_250 = arith.constant 4 : i32
      %mul3A_251 = arith.muli %scan3A_202, %mul3A_250 : i32
      %add3A_252 = arith.constant 2 : i32
      %add3A_253 = arith.addi %mul3A_251, %add3A_252 : i32
      %add3A_254 = arith.constant 4 : i32
      %add3A_255 = arith.addi %add3A_253, %add3A_254 : i32
      %sub3A_256 = arith.constant 1 : i32
      %sub3A_257 = arith.subi %add3A_255, %sub3A_256 : i32
      %lt3A_258 = arith.constant 32 : i32
      %lt3A_259 = arith.cmpi slt, %sub3A_257, %lt3A_258 : i32
      %convert_element_type3A_260 = arith.extui %lt3A_259 : i1 to i32
      %cond3A_261 = arith.constant 0 : i32
      %cond3A_262 = arith.cmpi ne, %convert_element_type3A_260, %cond3A_261 : i32
      scf.if %cond3A_262 {
        %add3A_303 = arith.constant 4 : i32
        %add3A_304 = arith.addi %add3A_253, %add3A_303 : i32
        %sub3A_305 = arith.constant 1 : i32
        %sub3A_306 = arith.subi %add3A_304, %sub3A_305 : i32
        %mul3A_307 = arith.constant 1024 : i32
        %mul3A_308 = arith.muli %sub3A_306, %mul3A_307 : i32
        %add3A_309 = arith.addi %mul3A_2, %mul3A_308 : i32
        %dma_start3A_310 = arith.constant 0 : i32
        %dma_start3A_311 = tpu.memref_slice %arg2[%dma_start3A_310, %add3A_309] : memref<21x1048576xf32, #tpu.memory_space<hbm>> -> memref<21x1024xf32, #tpu.memory_space<hbm>>
        %dma_start3A_312 = arith.constant 0 : i32
        %dma_start3A_313 = tpu.memref_slice %arg2[%dma_start3A_312, %add3A_309] : memref<21x1048576xf32, #tpu.memory_space<hbm>> -> memref<21x1024xf32, #tpu.memory_space<hbm>>
        tpu.enqueue_dma source(%dma_start3A_313 : memref<21x1024xf32, #tpu.memory_space<hbm>>) target(%arg7 : memref<21x1024xf32, #tpu.memory_space<vmem>>) target_semaphore(%arg17 : memref<!tpu.dma_semaphore, #tpu.memory_space<semaphore_mem>>)
        %dma_start3A_314 = tpu.memref_slice %arg3[%add3A_309] : memref<1048576xi32, #tpu.memory_space<hbm>> -> memref<1024xi32, #tpu.memory_space<hbm>>
        %dma_start3A_315 = tpu.memref_slice %arg3[%add3A_309] : memref<1048576xi32, #tpu.memory_space<hbm>> -> memref<1024xi32, #tpu.memory_space<hbm>>
        tpu.enqueue_dma source(%dma_start3A_315 : memref<1024xi32, #tpu.memory_space<hbm>>) target(%arg11 : memref<1024xi32, #tpu.memory_space<vmem>>) target_semaphore(%arg21 : memref<!tpu.dma_semaphore, #tpu.memory_space<semaphore_mem>>)
      } else {
      }
      %dma_wait3A_263 = arith.constant 0 : i32
      %dma_wait3A_264 = arith.constant 0 : i32
      %dma_wait3A_265 = tpu.memref_slice %arg2[%dma_wait3A_263, %dma_wait3A_264] : memref<21x1048576xf32, #tpu.memory_space<hbm>> -> memref<21x1024xf32, #tpu.memory_space<hbm>>
      %dma_wait3A_266 = arith.constant 0 : i32
      %dma_wait3A_267 = arith.constant 0 : i32
      %dma_wait3A_268 = tpu.memref_slice %arg2[%dma_wait3A_266, %dma_wait3A_267] : memref<21x1048576xf32, #tpu.memory_space<hbm>> -> memref<21x1024xf32, #tpu.memory_space<hbm>>
      tpu.wait_dma2 semaphore(%arg18 : memref<!tpu.dma_semaphore, #tpu.memory_space<semaphore_mem>>) src(%dma_wait3A_268 : memref<21x1024xf32, #tpu.memory_space<hbm>>) dst(%arg8 : memref<21x1024xf32, #tpu.memory_space<vmem>>)
      %dma_wait3A_269 = arith.constant 0 : i32
      %dma_wait3A_270 = tpu.memref_slice %arg3[%dma_wait3A_269] : memref<1048576xi32, #tpu.memory_space<hbm>> -> memref<1024xi32, #tpu.memory_space<hbm>>
      %dma_wait3A_271 = arith.constant 0 : i32
      %dma_wait3A_272 = tpu.memref_slice %arg3[%dma_wait3A_271] : memref<1048576xi32, #tpu.memory_space<hbm>> -> memref<1024xi32, #tpu.memory_space<hbm>>
      tpu.wait_dma2 semaphore(%arg22 : memref<!tpu.dma_semaphore, #tpu.memory_space<semaphore_mem>>) src(%dma_wait3A_272 : memref<1024xi32, #tpu.memory_space<hbm>>) dst(%arg12 : memref<1024xi32, #tpu.memory_space<vmem>>)
      %parallel_loop3A_273 = arith.constant 0 : i32
      %parallel_loop3A_274 = arith.constant 64 : i32
      %parallel_loop3A_275 = arith.constant 1 : i32
      scf.for %parallel_loop3A_303 = %parallel_loop3A_273 to %parallel_loop3A_274 step %parallel_loop3A_275  : i32 {
        %parallel_loop3A_304 = arith.constant 16 : i32
        %parallel_loop3A_305 = arith.muli %parallel_loop3A_303, %parallel_loop3A_304 : i32
        %parallel_loop3A_306 = arith.index_cast %parallel_loop3A_305 : i32 to index
        %parallel_loop3A_307 = tpu.vector_load %arg12[%parallel_loop3A_306] {strides = array<i32>} : memref<1024xi32, #tpu.memory_space<vmem>>, vector<16xi32>,
        %parallel_loop3A_308 = vector.broadcast %parallel_loop3A_305 : i32 to vector<16xi32>
        %parallel_loop3A_309 = arith.addi %parallel_loop3A_308, %iota3A : vector<16xi32>
        %parallel_loop3A_310 = tpu.vector_load_idx %arg8[%parallel_loop3A_307, %parallel_loop3A_309] : memref<21x1024xf32, #tpu.memory_space<vmem>>[vector<16xi32>, vector<16xi32>], vector<16xf32>,
        %parallel_loop3A_311 = vector.bitcast %parallel_loop3A_310 : vector<16xf32> to vector<16xi32>
        %parallel_loop3A_312 = arith.constant 23 : i32
        %parallel_loop3A_313 = vector.broadcast %parallel_loop3A_312 : i32 to vector<16xi32>
        %parallel_loop3A_314 = arith.shrsi %parallel_loop3A_311, %parallel_loop3A_313 : vector<16xi32>
        %parallel_loop3A_315 = arith.constant 127 : i32
        %parallel_loop3A_316 = vector.broadcast %parallel_loop3A_315 : i32 to vector<16xi32>
        %parallel_loop3A_317 = arith.subi %parallel_loop3A_314, %parallel_loop3A_316 : vector<16xi32>
        %parallel_loop3A_318 = arith.constant 8388607 : i32
        %parallel_loop3A_319 = vector.broadcast %parallel_loop3A_318 : i32 to vector<16xi32>
        %parallel_loop3A_320 = arith.andi %parallel_loop3A_311, %parallel_loop3A_319 : vector<16xi32>
        %parallel_loop3A_321 = arith.constant 1065353216 : i32
        %parallel_loop3A_322 = vector.broadcast %parallel_loop3A_321 : i32 to vector<16xi32>
        %parallel_loop3A_323 = arith.ori %parallel_loop3A_320, %parallel_loop3A_322 : vector<16xi32>
        %parallel_loop3A_324 = vector.bitcast %parallel_loop3A_323 : vector<16xi32> to vector<16xf32>
        %parallel_loop3A_325 = arith.sitofp %parallel_loop3A_317 : vector<16xi32> to vector<16xf32>
        %parallel_loop3A_326 = arith.constant 1.000000e+00 : f32
        %parallel_loop3A_327 = vector.broadcast %parallel_loop3A_326 : f32 to vector<16xf32>
        %parallel_loop3A_328 = arith.subf %parallel_loop3A_324, %parallel_loop3A_327 : vector<16xf32>
        %parallel_loop3A_329 = arith.constant 1.000000e+00 : f32
        %parallel_loop3A_330 = vector.broadcast %parallel_loop3A_329 : f32 to vector<16xf32>
        %parallel_loop3A_331 = arith.addf %parallel_loop3A_324, %parallel_loop3A_330 : vector<16xf32>
        %parallel_loop3A_332 = arith.divf %parallel_loop3A_328, %parallel_loop3A_331 : vector<16xf32>
        %parallel_loop3A_333 = arith.mulf %parallel_loop3A_332, %parallel_loop3A_332 : vector<16xf32>
        %parallel_loop3A_334 = arith.constant 0.285714298 : f32
        %parallel_loop3A_335 = vector.broadcast %parallel_loop3A_334 : f32 to vector<16xf32>
        %parallel_loop3A_336 = arith.mulf %parallel_loop3A_335, %parallel_loop3A_333 : vector<16xf32>
        %parallel_loop3A_337 = arith.constant 4.000000e-01 : f32
        %parallel_loop3A_338 = vector.broadcast %parallel_loop3A_337 : f32 to vector<16xf32>
        %parallel_loop3A_339 = arith.addf %parallel_loop3A_336, %parallel_loop3A_338 : vector<16xf32>
        %parallel_loop3A_340 = arith.mulf %parallel_loop3A_339, %parallel_loop3A_333 : vector<16xf32>
        %parallel_loop3A_341 = arith.constant 0.666666686 : f32
        %parallel_loop3A_342 = vector.broadcast %parallel_loop3A_341 : f32 to vector<16xf32>
        %parallel_loop3A_343 = arith.addf %parallel_loop3A_340, %parallel_loop3A_342 : vector<16xf32>
        %parallel_loop3A_344 = arith.mulf %parallel_loop3A_343, %parallel_loop3A_333 : vector<16xf32>
        %parallel_loop3A_345 = arith.constant 2.000000e+00 : f32
        %parallel_loop3A_346 = vector.broadcast %parallel_loop3A_345 : f32 to vector<16xf32>
        %parallel_loop3A_347 = arith.addf %parallel_loop3A_344, %parallel_loop3A_346 : vector<16xf32>
        %parallel_loop3A_348 = arith.mulf %parallel_loop3A_332, %parallel_loop3A_347 : vector<16xf32>
        %parallel_loop3A_349 = arith.constant 0.693147182 : f32
        %parallel_loop3A_350 = vector.broadcast %parallel_loop3A_349 : f32 to vector<16xf32>
        %parallel_loop3A_351 = arith.mulf %parallel_loop3A_325, %parallel_loop3A_350 : vector<16xf32>
        %parallel_loop3A_352 = arith.addf %parallel_loop3A_348, %parallel_loop3A_351 : vector<16xf32>
        tpu.vector_store_idx %arg14[%parallel_loop3A_307, %iota3A], %parallel_loop3A_352 {add = true} : memref<21x16xf32, #tpu.memory_space<vmem>>[vector<16xi32>, vector<16xi32>], vector<16xf32>,
        tpu.vector_store_idx %arg15[%parallel_loop3A_307, %iota3A], %broadcast_in_dim3A_172 {add = true} : memref<21x16xf32, #tpu.memory_space<vmem>>[vector<16xi32>, vector<16xi32>], vector<16xf32>,
      } {sc.loop_unroll_factor = 4 : i64, sc.parallel_access}
      %mul3A_276 = arith.constant 4 : i32
      %mul3A_277 = arith.muli %scan3A_202, %mul3A_276 : i32
      %add3A_278 = arith.constant 3 : i32
      %add3A_279 = arith.addi %mul3A_277, %add3A_278 : i32
      %add3A_280 = arith.constant 4 : i32
      %add3A_281 = arith.addi %add3A_279, %add3A_280 : i32
      %sub3A_282 = arith.constant 1 : i32
      %sub3A_283 = arith.subi %add3A_281, %sub3A_282 : i32
      %lt3A_284 = arith.constant 32 : i32
      %lt3A_285 = arith.cmpi slt, %sub3A_283, %lt3A_284 : i32
      %convert_element_type3A_286 = arith.extui %lt3A_285 : i1 to i32
      %cond3A_287 = arith.constant 0 : i32
      %cond3A_288 = arith.cmpi ne, %convert_element_type3A_286, %cond3A_287 : i32
      scf.if %cond3A_288 {
        %add3A_303 = arith.constant 4 : i32
        %add3A_304 = arith.addi %add3A_279, %add3A_303 : i32
        %sub3A_305 = arith.constant 1 : i32
        %sub3A_306 = arith.subi %add3A_304, %sub3A_305 : i32
        %mul3A_307 = arith.constant 1024 : i32
        %mul3A_308 = arith.muli %sub3A_306, %mul3A_307 : i32
        %add3A_309 = arith.addi %mul3A_2, %mul3A_308 : i32
        %dma_start3A_310 = arith.constant 0 : i32
        %dma_start3A_311 = tpu.memref_slice %arg2[%dma_start3A_310, %add3A_309] : memref<21x1048576xf32, #tpu.memory_space<hbm>> -> memref<21x1024xf32, #tpu.memory_space<hbm>>
        %dma_start3A_312 = arith.constant 0 : i32
        %dma_start3A_313 = tpu.memref_slice %arg2[%dma_start3A_312, %add3A_309] : memref<21x1048576xf32, #tpu.memory_space<hbm>> -> memref<21x1024xf32, #tpu.memory_space<hbm>>
        tpu.enqueue_dma source(%dma_start3A_313 : memref<21x1024xf32, #tpu.memory_space<hbm>>) target(%arg8 : memref<21x1024xf32, #tpu.memory_space<vmem>>) target_semaphore(%arg18 : memref<!tpu.dma_semaphore, #tpu.memory_space<semaphore_mem>>)
        %dma_start3A_314 = tpu.memref_slice %arg3[%add3A_309] : memref<1048576xi32, #tpu.memory_space<hbm>> -> memref<1024xi32, #tpu.memory_space<hbm>>
        %dma_start3A_315 = tpu.memref_slice %arg3[%add3A_309] : memref<1048576xi32, #tpu.memory_space<hbm>> -> memref<1024xi32, #tpu.memory_space<hbm>>
        tpu.enqueue_dma source(%dma_start3A_315 : memref<1024xi32, #tpu.memory_space<hbm>>) target(%arg12 : memref<1024xi32, #tpu.memory_space<vmem>>) target_semaphore(%arg22 : memref<!tpu.dma_semaphore, #tpu.memory_space<semaphore_mem>>)
      } else {
      }
      %dma_wait3A_289 = arith.constant 0 : i32
      %dma_wait3A_290 = arith.constant 0 : i32
      %dma_wait3A_291 = tpu.memref_slice %arg2[%dma_wait3A_289, %dma_wait3A_290] : memref<21x1048576xf32, #tpu.memory_space<hbm>> -> memref<21x1024xf32, #tpu.memory_space<hbm>>
      %dma_wait3A_292 = arith.constant 0 : i32
      %dma_wait3A_293 = arith.constant 0 : i32
      %dma_wait3A_294 = tpu.memref_slice %arg2[%dma_wait3A_292, %dma_wait3A_293] : memref<21x1048576xf32, #tpu.memory_space<hbm>> -> memref<21x1024xf32, #tpu.memory_space<hbm>>
      tpu.wait_dma2 semaphore(%arg19 : memref<!tpu.dma_semaphore, #tpu.memory_space<semaphore_mem>>) src(%dma_wait3A_294 : memref<21x1024xf32, #tpu.memory_space<hbm>>) dst(%arg9 : memref<21x1024xf32, #tpu.memory_space<vmem>>)
      %dma_wait3A_295 = arith.constant 0 : i32
      %dma_wait3A_296 = tpu.memref_slice %arg3[%dma_wait3A_295] : memref<1048576xi32, #tpu.memory_space<hbm>> -> memref<1024xi32, #tpu.memory_space<hbm>>
      %dma_wait3A_297 = arith.constant 0 : i32
      %dma_wait3A_298 = tpu.memref_slice %arg3[%dma_wait3A_297] : memref<1048576xi32, #tpu.memory_space<hbm>> -> memref<1024xi32, #tpu.memory_space<hbm>>
      tpu.wait_dma2 semaphore(%arg23 : memref<!tpu.dma_semaphore, #tpu.memory_space<semaphore_mem>>) src(%dma_wait3A_298 : memref<1024xi32, #tpu.memory_space<hbm>>) dst(%arg13 : memref<1024xi32, #tpu.memory_space<vmem>>)
      %parallel_loop3A_299 = arith.constant 0 : i32
      %parallel_loop3A_300 = arith.constant 64 : i32
      %parallel_loop3A_301 = arith.constant 1 : i32
      scf.for %parallel_loop3A_303 = %parallel_loop3A_299 to %parallel_loop3A_300 step %parallel_loop3A_301  : i32 {
        %parallel_loop3A_304 = arith.constant 16 : i32
        %parallel_loop3A_305 = arith.muli %parallel_loop3A_303, %parallel_loop3A_304 : i32
        %parallel_loop3A_306 = arith.index_cast %parallel_loop3A_305 : i32 to index
        %parallel_loop3A_307 = tpu.vector_load %arg13[%parallel_loop3A_306] {strides = array<i32>} : memref<1024xi32, #tpu.memory_space<vmem>>, vector<16xi32>,
        %parallel_loop3A_308 = vector.broadcast %parallel_loop3A_305 : i32 to vector<16xi32>
        %parallel_loop3A_309 = arith.addi %parallel_loop3A_308, %iota3A : vector<16xi32>
        %parallel_loop3A_310 = tpu.vector_load_idx %arg9[%parallel_loop3A_307, %parallel_loop3A_309] : memref<21x1024xf32, #tpu.memory_space<vmem>>[vector<16xi32>, vector<16xi32>], vector<16xf32>,
        %parallel_loop3A_311 = vector.bitcast %parallel_loop3A_310 : vector<16xf32> to vector<16xi32>
        %parallel_loop3A_312 = arith.constant 23 : i32
        %parallel_loop3A_313 = vector.broadcast %parallel_loop3A_312 : i32 to vector<16xi32>
        %parallel_loop3A_314 = arith.shrsi %parallel_loop3A_311, %parallel_loop3A_313 : vector<16xi32>
        %parallel_loop3A_315 = arith.constant 127 : i32
        %parallel_loop3A_316 = vector.broadcast %parallel_loop3A_315 : i32 to vector<16xi32>
        %parallel_loop3A_317 = arith.subi %parallel_loop3A_314, %parallel_loop3A_316 : vector<16xi32>
        %parallel_loop3A_318 = arith.constant 8388607 : i32
        %parallel_loop3A_319 = vector.broadcast %parallel_loop3A_318 : i32 to vector<16xi32>
        %parallel_loop3A_320 = arith.andi %parallel_loop3A_311, %parallel_loop3A_319 : vector<16xi32>
        %parallel_loop3A_321 = arith.constant 1065353216 : i32
        %parallel_loop3A_322 = vector.broadcast %parallel_loop3A_321 : i32 to vector<16xi32>
        %parallel_loop3A_323 = arith.ori %parallel_loop3A_320, %parallel_loop3A_322 : vector<16xi32>
        %parallel_loop3A_324 = vector.bitcast %parallel_loop3A_323 : vector<16xi32> to vector<16xf32>
        %parallel_loop3A_325 = arith.sitofp %parallel_loop3A_317 : vector<16xi32> to vector<16xf32>
        %parallel_loop3A_326 = arith.constant 1.000000e+00 : f32
        %parallel_loop3A_327 = vector.broadcast %parallel_loop3A_326 : f32 to vector<16xf32>
        %parallel_loop3A_328 = arith.subf %parallel_loop3A_324, %parallel_loop3A_327 : vector<16xf32>
        %parallel_loop3A_329 = arith.constant 1.000000e+00 : f32
        %parallel_loop3A_330 = vector.broadcast %parallel_loop3A_329 : f32 to vector<16xf32>
        %parallel_loop3A_331 = arith.addf %parallel_loop3A_324, %parallel_loop3A_330 : vector<16xf32>
        %parallel_loop3A_332 = arith.divf %parallel_loop3A_328, %parallel_loop3A_331 : vector<16xf32>
        %parallel_loop3A_333 = arith.mulf %parallel_loop3A_332, %parallel_loop3A_332 : vector<16xf32>
        %parallel_loop3A_334 = arith.constant 0.285714298 : f32
        %parallel_loop3A_335 = vector.broadcast %parallel_loop3A_334 : f32 to vector<16xf32>
        %parallel_loop3A_336 = arith.mulf %parallel_loop3A_335, %parallel_loop3A_333 : vector<16xf32>
        %parallel_loop3A_337 = arith.constant 4.000000e-01 : f32
        %parallel_loop3A_338 = vector.broadcast %parallel_loop3A_337 : f32 to vector<16xf32>
        %parallel_loop3A_339 = arith.addf %parallel_loop3A_336, %parallel_loop3A_338 : vector<16xf32>
        %parallel_loop3A_340 = arith.mulf %parallel_loop3A_339, %parallel_loop3A_333 : vector<16xf32>
        %parallel_loop3A_341 = arith.constant 0.666666686 : f32
        %parallel_loop3A_342 = vector.broadcast %parallel_loop3A_341 : f32 to vector<16xf32>
        %parallel_loop3A_343 = arith.addf %parallel_loop3A_340, %parallel_loop3A_342 : vector<16xf32>
        %parallel_loop3A_344 = arith.mulf %parallel_loop3A_343, %parallel_loop3A_333 : vector<16xf32>
        %parallel_loop3A_345 = arith.constant 2.000000e+00 : f32
        %parallel_loop3A_346 = vector.broadcast %parallel_loop3A_345 : f32 to vector<16xf32>
        %parallel_loop3A_347 = arith.addf %parallel_loop3A_344, %parallel_loop3A_346 : vector<16xf32>
        %parallel_loop3A_348 = arith.mulf %parallel_loop3A_332, %parallel_loop3A_347 : vector<16xf32>
        %parallel_loop3A_349 = arith.constant 0.693147182 : f32
        %parallel_loop3A_350 = vector.broadcast %parallel_loop3A_349 : f32 to vector<16xf32>
        %parallel_loop3A_351 = arith.mulf %parallel_loop3A_325, %parallel_loop3A_350 : vector<16xf32>
        %parallel_loop3A_352 = arith.addf %parallel_loop3A_348, %parallel_loop3A_351 : vector<16xf32>
        tpu.vector_store_idx %arg14[%parallel_loop3A_307, %iota3A], %parallel_loop3A_352 {add = true} : memref<21x16xf32, #tpu.memory_space<vmem>>[vector<16xi32>, vector<16xi32>], vector<16xf32>,
        tpu.vector_store_idx %arg15[%parallel_loop3A_307, %iota3A], %broadcast_in_dim3A_172 {add = true} : memref<21x16xf32, #tpu.memory_space<vmem>>[vector<16xi32>, vector<16xi32>], vector<16xf32>,
      } {sc.loop_unroll_factor = 4 : i64, sc.parallel_access}
      %scan3A_302 = arith.constant 0 : i32
      scf.yield %scan3A_302 : i32
    }
    %scan3A_201 = arith.constant 8 : i32
    "tpu.region"() ({
      %run_scoped3A = tpu.sem_alloc : memref<!tpu.dma_semaphore, #tpu.memory_space<semaphore_mem>>
      %dma_start3A_202 = arith.constant 0 : i32
      %dma_start3A_203 = arith.constant 0 : i32
      %dma_start3A_204 = tpu.memref_slice %arg4[%add3A, %dma_start3A_202, %dma_start3A_203] : memref<32x21x16xf32, #tpu.memory_space<hbm>> -> memref<1x21x16xf32, #tpu.memory_space<hbm>>
      %dma_start3A_205 = tpu.memref_squeeze %dma_start3A_204 : memref<1x21x16xf32, #tpu.memory_space<hbm>> -> memref<21x16xf32, #tpu.memory_space<hbm>>
      %dma_start3A_206 = arith.constant 0 : i32
      %dma_start3A_207 = arith.constant 0 : i32
      %dma_start3A_208 = tpu.memref_slice %arg4[%add3A, %dma_start3A_206, %dma_start3A_207] : memref<32x21x16xf32, #tpu.memory_space<hbm>> -> memref<1x21x16xf32, #tpu.memory_space<hbm>>
      %dma_start3A_209 = tpu.memref_squeeze %dma_start3A_208 : memref<1x21x16xf32, #tpu.memory_space<hbm>> -> memref<21x16xf32, #tpu.memory_space<hbm>>
      tpu.enqueue_dma source(%arg14 : memref<21x16xf32, #tpu.memory_space<vmem>>) target(%dma_start3A_209 : memref<21x16xf32, #tpu.memory_space<hbm>>) target_semaphore(%run_scoped3A : memref<!tpu.dma_semaphore, #tpu.memory_space<semaphore_mem>>)
      %dma_wait3A = arith.constant 0 : i32
      %dma_wait3A_210 = arith.constant 0 : i32
      %dma_wait3A_211 = tpu.memref_slice %arg4[%add3A, %dma_wait3A, %dma_wait3A_210] : memref<32x21x16xf32, #tpu.memory_space<hbm>> -> memref<1x21x16xf32, #tpu.memory_space<hbm>>
      %dma_wait3A_212 = tpu.memref_squeeze %dma_wait3A_211 : memref<1x21x16xf32, #tpu.memory_space<hbm>> -> memref<21x16xf32, #tpu.memory_space<hbm>>
      %dma_wait3A_213 = arith.constant 0 : i32
      %dma_wait3A_214 = arith.constant 0 : i32
      %dma_wait3A_215 = tpu.memref_slice %arg4[%add3A, %dma_wait3A_213, %dma_wait3A_214] : memref<32x21x16xf32, #tpu.memory_space<hbm>> -> memref<1x21x16xf32, #tpu.memory_space<hbm>>
      %dma_wait3A_216 = tpu.memref_squeeze %dma_wait3A_215 : memref<1x21x16xf32, #tpu.memory_space<hbm>> -> memref<21x16xf32, #tpu.memory_space<hbm>>
      tpu.wait_dma2 semaphore(%run_scoped3A : memref<!tpu.dma_semaphore, #tpu.memory_space<semaphore_mem>>) src(%arg14 : memref<21x16xf32, #tpu.memory_space<vmem>>) dst(%dma_wait3A_216 : memref<21x16xf32, #tpu.memory_space<hbm>>)
      tpu.yield
    }) : () -> ()
    "tpu.region"() ({
      %run_scoped3A = tpu.sem_alloc : memref<!tpu.dma_semaphore, #tpu.memory_space<semaphore_mem>>
      %dma_start3A_202 = arith.constant 0 : i32
      %dma_start3A_203 = arith.constant 0 : i32
      %dma_start3A_204 = tpu.memref_slice %arg5[%add3A, %dma_start3A_202, %dma_start3A_203] : memref<32x21x16xf32, #tpu.memory_space<hbm>> -> memref<1x21x16xf32, #tpu.memory_space<hbm>>
      %dma_start3A_205 = tpu.memref_squeeze %dma_start3A_204 : memref<1x21x16xf32, #tpu.memory_space<hbm>> -> memref<21x16xf32, #tpu.memory_space<hbm>>
      %dma_start3A_206 = arith.constant 0 : i32
      %dma_start3A_207 = arith.constant 0 : i32
      %dma_start3A_208 = tpu.memref_slice %arg5[%add3A, %dma_start3A_206, %dma_start3A_207] : memref<32x21x16xf32, #tpu.memory_space<hbm>> -> memref<1x21x16xf32, #tpu.memory_space<hbm>>
      %dma_start3A_209 = tpu.memref_squeeze %dma_start3A_208 : memref<1x21x16xf32, #tpu.memory_space<hbm>> -> memref<21x16xf32, #tpu.memory_space<hbm>>
      tpu.enqueue_dma source(%arg15 : memref<21x16xf32, #tpu.memory_space<vmem>>) target(%dma_start3A_209 : memref<21x16xf32, #tpu.memory_space<hbm>>) target_semaphore(%run_scoped3A : memref<!tpu.dma_semaphore, #tpu.memory_space<semaphore_mem>>)
      %dma_wait3A = arith.constant 0 : i32
      %dma_wait3A_210 = arith.constant 0 : i32
      %dma_wait3A_211 = tpu.memref_slice %arg5[%add3A, %dma_wait3A, %dma_wait3A_210] : memref<32x21x16xf32, #tpu.memory_space<hbm>> -> memref<1x21x16xf32, #tpu.memory_space<hbm>>
      %dma_wait3A_212 = tpu.memref_squeeze %dma_wait3A_211 : memref<1x21x16xf32, #tpu.memory_space<hbm>> -> memref<21x16xf32, #tpu.memory_space<hbm>>
      %dma_wait3A_213 = arith.constant 0 : i32
      %dma_wait3A_214 = arith.constant 0 : i32
      %dma_wait3A_215 = tpu.memref_slice %arg5[%add3A, %dma_wait3A_213, %dma_wait3A_214] : memref<32x21x16xf32, #tpu.memory_space<hbm>> -> memref<1x21x16xf32, #tpu.memory_space<hbm>>
      %dma_wait3A_216 = tpu.memref_squeeze %dma_wait3A_215 : memref<1x21x16xf32, #tpu.memory_space<hbm>> -> memref<21x16xf32, #tpu.memory_space<hbm>>
      tpu.wait_dma2 semaphore(%run_scoped3A : memref<!tpu.dma_semaphore, #tpu.memory_space<semaphore_mem>>) src(%arg15 : memref<21x16xf32, #tpu.memory_space<vmem>>) dst(%dma_wait3A_216 : memref<21x16xf32, #tpu.memory_space<hbm>>)
      tpu.yield
    }) : () -> ()
    return
  }
}

module attributes {stable_mosaic.version = 14 : i64} {
  func.func @_combine_body(%arg0: memref<32x21x16xf32, #tpu.memory_space<vmem>>, %arg1: memref<32x21x16xf32, #tpu.memory_space<vmem>>, %arg2: memref<20x1xf32, #tpu.memory_space<vmem>>, %arg3: memref<20x1xf32, #tpu.memory_space<vmem>>, %arg4: memref<1x1xf32, #tpu.memory_space<vmem>>) attributes {dimension_semantics = [], scalar_prefetch = 0 : i64, scratch_operands = 0 : i64, tpu.core_type = #tpu.core_type<tc>} {
    %get3A = arith.constant 0 : index
    %get3A_0 = arith.constant 0 : index
    %get3A_1 = arith.constant 0 : index
    %get3A_2 = vector.load %arg0[%get3A, %get3A_0, %get3A_1] : memref<32x21x16xf32, #tpu.memory_space<vmem>>, vector<32x21x16xf32>
    %reduce_sum3A = arith.constant dense<0.000000e+00> : vector<21x16xf32>
    %reduce_sum3A_3 = vector.multi_reduction <add>, %get3A_2, %reduce_sum3A [0] : vector<32x21x16xf32> to vector<21x16xf32>
    %get3A_4 = arith.constant 0 : index
    %get3A_5 = arith.constant 0 : index
    %get3A_6 = arith.constant 0 : index
    %get3A_7 = vector.load %arg1[%get3A_4, %get3A_5, %get3A_6] : memref<32x21x16xf32, #tpu.memory_space<vmem>>, vector<32x21x16xf32>
    %reduce_sum3A_8 = arith.constant dense<0.000000e+00> : vector<21x16xf32>
    %reduce_sum3A_9 = vector.multi_reduction <add>, %get3A_7, %reduce_sum3A_8 [0] : vector<32x21x16xf32> to vector<21x16xf32>
    %reduce_sum3A_10 = arith.constant dense<0.000000e+00> : vector<21xf32>
    %reduce_sum3A_11 = vector.multi_reduction <add>, %reduce_sum3A_3, %reduce_sum3A_10 [1] : vector<21x16xf32> to vector<21xf32>
    %broadcast_in_dim3A = vector.shape_cast %reduce_sum3A_11 : vector<21xf32> to vector<21x1xf32>
    %neg3A = arith.constant 0.000000e+00 : f32
    %neg3A_12 = vector.broadcast %neg3A : f32 to vector<21x1xf32>
    %neg3A_13 = arith.subf %neg3A_12, %broadcast_in_dim3A : vector<21x1xf32>
    %reduce_sum3A_14 = arith.constant dense<0.000000e+00> : vector<21xf32>
    %reduce_sum3A_15 = vector.multi_reduction <add>, %reduce_sum3A_9, %reduce_sum3A_14 [1] : vector<21x16xf32> to vector<21xf32>
    %broadcast_in_dim3A_16 = vector.shape_cast %reduce_sum3A_15 : vector<21xf32> to vector<21x1xf32>
    %gt3A = arith.constant 0.000000e+00 : f32
    %gt3A_17 = vector.broadcast %gt3A : f32 to vector<21x1xf32>
    %gt3A_18 = arith.cmpf ogt, %broadcast_in_dim3A_16, %gt3A_17 : vector<21x1xf32>
    %convert_element_type3A = arith.extui %gt3A_18 : vector<21x1xi1> to vector<21x1xi32>
    %convert_element_type3A_19 = arith.sitofp %convert_element_type3A : vector<21x1xi32> to vector<21x1xf32>
    %get3A_20 = arith.constant 0 : index
    %get3A_21 = arith.constant 0 : index
    %get3A_22 = vector.load %arg2[%get3A_20, %get3A_21] : memref<20x1xf32, #tpu.memory_space<vmem>>, vector<20x1xf32>
    %slice3A = vector.extract_strided_slice %neg3A_13 {offsets = [1, 0], sizes = [20, 1], strides = [1, 1]} : vector<21x1xf32> to vector<20x1xf32>
    %add3A = arith.constant 1.000000e+00 : f32
    %add3A_23 = vector.broadcast %add3A : f32 to vector<20x1xf32>
    %add3A_24 = arith.addf %slice3A, %add3A_23 : vector<20x1xf32>
    %mul3A = arith.mulf %get3A_22, %add3A_24 : vector<20x1xf32>
    %slice3A_25 = vector.extract_strided_slice %convert_element_type3A_19 {offsets = [1, 0], sizes = [20, 1], strides = [1, 1]} : vector<21x1xf32> to vector<20x1xf32>
    %mul3A_26 = arith.mulf %mul3A, %slice3A_25 : vector<20x1xf32>
    %reduce_sum3A_27 = vector.shape_cast %mul3A_26 : vector<20x1xf32> to vector<1x20x1xf32>
    %reduce_sum3A_28 = arith.constant dense<0.000000e+00> : vector<1xf32>
    %reduce_sum3A_29 = vector.multi_reduction <add>, %reduce_sum3A_27, %reduce_sum3A_28 [1, 2] : vector<1x20x1xf32> to vector<1xf32>
    %reduce_sum3A_30 = vector.shape_cast %reduce_sum3A_29 : vector<1xf32> to vector<1x1x1xf32>
    %reduce_sum3A_31 = vector.extract %reduce_sum3A_30[0, 0, 0] : f32 from vector<1x1x1xf32>
    %get3A_32 = arith.constant 0 : index
    %get3A_33 = arith.constant 0 : index
    %get3A_34 = vector.load %arg3[%get3A_32, %get3A_33] : memref<20x1xf32, #tpu.memory_space<vmem>>, vector<20x1xf32>
    %reduce_sum3A_35 = vector.shape_cast %get3A_34 : vector<20x1xf32> to vector<1x20x1xf32>
    %reduce_sum3A_36 = arith.constant dense<0.000000e+00> : vector<1xf32>
    %reduce_sum3A_37 = vector.multi_reduction <add>, %reduce_sum3A_35, %reduce_sum3A_36 [1, 2] : vector<1x20x1xf32> to vector<1xf32>
    %reduce_sum3A_38 = vector.shape_cast %reduce_sum3A_37 : vector<1xf32> to vector<1x1x1xf32>
    %reduce_sum3A_39 = vector.extract %reduce_sum3A_38[0, 0, 0] : f32 from vector<1x1x1xf32>
    %div3A = arith.divf %reduce_sum3A_31, %reduce_sum3A_39 : f32
    %reshape3A = vector.broadcast %div3A : f32 to vector<1x1xf32>
    %swap3A = arith.constant 0 : index
    %swap3A_40 = arith.constant 0 : index
    %swap3A_41 = vector.load %arg4[%swap3A, %swap3A_40] : memref<1x1xf32, #tpu.memory_space<vmem>>, vector<1x1xf32>
    tpu.vector_store %arg4[%swap3A, %swap3A_40], %reshape3A {strides = array<i32>} : memref<1x1xf32, #tpu.memory_space<vmem>>, vector<1x1xf32>,
    return
  }
}

</mosaic_0001>

<sc_bundles>
// kernel: kernel.4.cloned.1.call-start
scs
__scs_entry_jumppad:
0x0: {  	(pc) =	sbr.rel $0x88, $3  }
0x1: {  	(tag) =	ssettag $0x0;
	lr =	simm.s32 $0x1  }
0x2: {  	[smem:$0x3F9D] =	sst lr;
	_ =	strace $0xD0000000  }
0x3: {  	_ = 	snop  }
0x4: {  	_ = 	snop  }
0x5: {  	_ = 	snop  }
0x6: {  	_ = 	snop  }
0x7: {  	_ = 	snop  }
__scs_overlays_trampoline_lowered:
0x8: {  	[smem:$0x3FAC] =	sst s0  }
0x9: {  	[smem:$0x3FAD] =	sst s1  }
0xa: {  	[smem:$0x3FAE] =	sst s2  }
0xb: {  	[smem:$0x3FAF] =	sst s3  }
0xc: {  	[smem:$0x3FB0] =	sst s4  }
0xd: {  	[smem:$0x3FB1] =	sst s5  }
0xe: {  	[smem:$0x3FB2] =	sst s6  }
0xf: {  	[smem:$0x3FB3] =	sst s7  }
0x10: {  	[smem:$0x3FB4] =	sst s8  }
0x11: {  	[smem:$0x3FB5] =	sst s9;
	s0 =	simm.s32 @!p0 $0x0  }
0x12: {  	s1 =	sld [smem:$0x3F9B];
	s0 =	simm.s32 @p0 $0x1  }
0x13: {  	[smem:$0x3FB6] =	sst s0;
	s0 =	simm.s32 @!p1 $0x0  }
0x14: {  	s2 =	sld [smem:$0x3F9A];
	s0 =	simm.s32 @p1 $0x1  }
0x15: {  	[smem:$0x3FB7] =	sst s0;
	s0 =	simm.s32 @!p2 $0x0  }
0x16: {  	s3 =	sld [smem:$0x3FDB];
	s0 =	simm.s32 @p2 $0x1  }
0x17: {  	s4 =	simm.s32 $0x1BF5;
	[smem:$0x3FB9] =	sst s0  }
0x18: {  	s0 =	sld [smem:$0x3F9C];
	_ =	swait.ge [sflag:s4], $0x0  }
0x19: {  	s7 =	sld [smem:$0x3F9D]  }
0x1a: {  	s8 =	sadd.s32 $0xFFFFE003, lr  }
0x1b: {  	s9 =	sadd.s32 $0xFFFFFEF7, lr;
	s5 =	simm.s32 $0xFFFFFFFF;
	p2 =	slt.u32 s8, $0xFFFFF086  }
0x1c: {  	p1 =	slt.u32 s9, $0xF7A;
	s5 =	simm.s32 @!p2 $0x0  }
0x1d: {  	s5 =	simm.s32 @p1 $0x1;
	p0 =	seq.s32 s7, s2  }
0x1e: {  	s7 =	smul.u32 @!p0 $0xF7A, s2;
	p2 =	seq.s32 @!p0 s5, $0x0  }
0x1f: {  	s9 =	smul.u32 $0xF7A, s1;
	s8 =	simm.s32 @!p0 $0x1BF5;
	p2 =	por !p2, p0  }
0x20: {  	[sflag:s8] =	ssyncset.s32 @!p0 $0xFFFFF086;
	s6 =	sadd.s32 @!p0 s3, s7;
	s7 =	simm.s32 @!p0 $0x108  }
0x21: {  	s3 =	sadd.s32 s3, s9;
	s6 =	sadd.s32 @!p0 $0x88, s6;
	s7 =	simm.s32 @p2 $0x1082  }
0x22: {  	[simem:s7], [sflag:s8] =	dma.local @!p0 [hbm:s6], $0xF7A  }
0x23: {  	s9 =	sor.u32 $0xD0000000, s2;
	s6 =	simm.s32 $0x108;
	_ =	swait.ge @!p0 [sflag:s8], $0x0  }
0x24: {  	s3 =	sadd.s32 $0x88, s3;
	s6 =	simm.s32 @!p1 $0x1082;
	[sflag:s4] =	ssyncset.s32 $0xFFFFF086  }
0x25: {  	[simem:s6], [sflag:s4] =	dma.local [hbm:s3], $0xF7A  }
0x26: {  	[smem:$0x3F9D] =	sst s1;
	(tag) =	ssettag s2;
	_ =	strace s9  }
0x27: {  	s1 =	sld [smem:$0x3FAD]  }
0x28: {  	s2 =	sld [smem:$0x3FAE]  }
0x29: {  	s4 =	sld [smem:$0x3FB0]  }
0x2a: {  	p0 =	seq.s32 s5, $0x0;
	s5 =	sld [smem:$0x3FB1]  }
0x2b: {  	s6 =	sld [smem:$0x3FB2]  }
0x2c: {  	s7 =	sld [smem:$0x3FB3]  }
0x2d: {  	s3 =	simm.s32 $0x108;
	s8 =	sld [smem:$0x3FB4]  }
0x2e: {  	s3 =	simm.s32 @!p0 $0x1082;
	s9 =	sld [smem:$0x3FB5]  }
0x2f: {  	lr =	sadd.s32 s0, s3;
	s0 =	sld [smem:$0x3FAC]  }
0x30: {  	s3 =	sld [smem:$0x3FAF]  }
0x31: {  	[smem:$0x3FB8] =	sst s10  }
0x32: {  	s10 =	sld [smem:$0x3FB6];
	_ =	sdelay $0x3  }
0x33: {  	p0 =	seq.s32 s10, $0x1;
	s10 =	sld [smem:$0x3FB8];
	_ =	sdelay $0x3  }
0x34: {  	[smem:$0x3FB8] =	sst s10  }
0x35: {  	s10 =	sld [smem:$0x3FB7];
	_ =	sdelay $0x3  }
0x36: {  	p1 =	seq.s32 s10, $0x1;
	s10 =	sld [smem:$0x3FB8];
	_ =	sdelay $0x3  }
0x37: {  	[smem:$0x3FB8] =	sst s10  }
0x38: {  	s10 =	sld [smem:$0x3FB9]  }
0x39: {  	_ = 	snop;
	(pc) =	sbr.ind lr, $3  }
0x3a: {  	_ = 	snop  }
0x3b: {  	_ = 	snop  }
0x3c: {  	p2 =	seq.s32 s10, $0x1;
	s10 =	sld [smem:$0x3FB8]  }
0x3d: {  	_ =	shalt  }
0x3e: {  	_ =	shalt  }
0x3f: {  	_ =	shalt  }
0x40: {  	_ =	shalt  }
0x41: {  	_ =	shalt  }
0x42: {  	_ =	shalt  }
0x43: {  	_ =	shalt  }
0x44: {  	_ =	shalt  }
0x45: {  	_ =	shalt  }
0x46: {  	_ =	shalt  }
0x47: {  	_ =	shalt  }
0x48: {  	_ =	shalt  }
0x49: {  	_ =	shalt  }
0x4a: {  	_ =	shalt  }
0x4b: {  	_ =	shalt  }
0x4c: {  	_ =	shalt  }
0x4d: {  	_ =	shalt  }
0x4e: {  	_ =	shalt  }
0x4f: {  	_ =	shalt  }
0x50: {  	_ =	shalt  }
0x51: {  	_ =	shalt  }
0x52: {  	_ =	shalt  }
0x53: {  	_ =	shalt  }
0x54: {  	_ =	shalt  }
0x55: {  	_ =	shalt  }
0x56: {  	_ =	shalt  }
0x57: {  	_ =	shalt  }
0x58: {  	_ =	shalt  }
0x59: {  	_ =	shalt  }
0x5a: {  	_ =	shalt  }
0x5b: {  	_ =	shalt  }
0x5c: {  	_ =	shalt  }
0x5d: {  	_ =	shalt  }
0x5e: {  	_ =	shalt  }
0x5f: {  	_ =	shalt  }
0x60: {  	_ =	shalt  }
0x61: {  	_ =	shalt  }
0x62: {  	_ =	shalt  }
0x63: {  	_ =	shalt  }
0x64: {  	_ =	shalt  }
0x65: {  	_ =	shalt  }
0x66: {  	_ =	shalt  }
0x67: {  	_ =	shalt  }
0x68: {  	_ =	shalt  }
0x69: {  	_ =	shalt  }
0x6a: {  	_ =	shalt  }
0x6b: {  	_ =	shalt  }
0x6c: {  	_ =	shalt  }
0x6d: {  	_ =	shalt  }
0x6e: {  	_ =	shalt  }
0x6f: {  	_ =	shalt  }
0x70: {  	_ =	shalt  }
0x71: {  	_ =	shalt  }
0x72: {  	_ =	shalt  }
0x73: {  	_ =	shalt  }
0x74: {  	_ =	shalt  }
0x75: {  	_ =	shalt  }
0x76: {  	_ =	shalt  }
0x77: {  	_ =	shalt  }
0x78: {  	_ =	shalt  }
0x79: {  	_ =	shalt  }
0x7a: {  	_ =	shalt  }
0x7b: {  	_ =	shalt  }
0x7c: {  	_ =	shalt  }
0x7d: {  	_ =	shalt  }
0x7e: {  	_ =	shalt  }
0x7f: {  	_ =	shalt  }
0x80: {  	_ =	shalt  }
0x81: {  	_ =	shalt  }
0x82: {  	_ =	shalt  }
0x83: {  	_ =	shalt  }
0x84: {  	_ =	shalt  }
0x85: {  	_ =	shalt  }
0x86: {  	_ =	shalt  }
0x87: {  	_ =	shalt  }
.Lfunc_end0:
.L_simem_size_0:
called_computation_lowered:
.L_overlay_start_0:
0x88: {  	s2 =	sld [smem:$0x3FD9]  }
0x89: {  	s3 =	sld [smem:$0x3FFE];
	_ =	sdelay $0x1  }
0x8a: {  	s1 =	srdreg.scid  }
0x8b: {  	s0 =	sand.u32 $0x1, s1  }
0x8c: {  	s17 =	sshll.u32 s0, $0xA;
	s2 =	sadd.s32 s3, s2  }
0x8d: {  	s2 =	sadd.s32 s2, s17  }
0x8e: {  	[smem:$0x3FC4] =	sst s2  }
0x8f: {  	_ = 	snop  }
0x90: {  	s2 =	sld [smem:$0x3FC9]  }
0x91: {  	s18 =	sld [smem:$0x3FC8];
	(tm) =	ssettm $0x1  }
0x92: {  	s4 =	sld [smem:$0x3FFB];
	_ =	sdelay $0x3  }
0x93: {  	_ =	strace s4  }
0x94: {  	s4 =	sld [smem:$0x3FFC];
	_ =	sdelay $0x3  }
0x95: {  	_ =	strace s4  }
0x96: {  	s4 =	sld [smem:$0x3FFD];
	_ =	sdelay $0x3  }
0x97: {  	_ =	strace s4  }
0x98: {  	_ =	strace $0x8FFFFFFF  }
0x99: {  	s19 =	sld [smem:$0x3FDB];
	_ =	sdelay $0x1  }
0x9a: {  	s5 =	simm.s32 $_scs_section_size  }
0x9b: {  	s6 =	simm.s32 $_size__tile_overlayer_lowered;
	s7 =	simm.s32 $_tile_overlayer_lowered  }
0x9c: {  	s22 =	simm.s32 $0x1BFF;
	s21 =	sshll.u32 s7, $0x1;
	s4 =	sadd.s32 s5, s19  }
0x9d: {  	s8 =	simm.s32 $0x0;
	s20 =	sshll.u32 s6, $0x1;
	s6 =	sadd.s32 s21, s4  }
0x9e: {  	[timem:s8], [sflag:s22] =	dma.local [hbm:s6], s20  }
0x9f: {  	_ =	swait.ge [sflag:s22], s20  }
0xa0: {  	s5 =	ssub.s32 $0x0, s20;
	[sflag:s22] =	ssyncset.done $0x0  }
0xa1: {  	[sflag:s22] =	ssyncadd.s32 s5;
	_ =	sdelay $0x1  }
0xa2: {  	s23 =	simm.s32 $0x1B8B  }
0xa3: {  	_ =	swait.ge [sflag:s23], $0x1  }
0xa4: {  	[sflag:s23] =	ssyncset.done $0x0  }
0xa5: {  	s25 =	simm.s32 $0x1B8E;
	s24 =	sld [smem:$0x3FFE];
	[sflag:s23] =	ssyncadd.s32 $0xFFFFFFFF  }
0xa6: {  	s26 =	simm.s32 $execute0_lowered;
	[smem:$0x3FD2] =	sst s25  }
0xa7: {  	s6 =	sshll.u32 s26, $0x1;
	_ =	strace $0x80000046;
	[dreg:$0x1] =	wrdreg $0xFFFFFFFF  }
0xa8: {  	s28 =	simm.s32 $_size_execute0_lowered;
	s4 =	sadd.s32 s4, s6;
	[dreg:$0x0] =	wrdreg $0x0  }
0xa9: {  	s6 =	sshll.u32 s28, $0x1;
	[dreg:$0x2] =	wrdreg s4  }
0xaa: {  	[dreg:$0x3] =	wrdreg s6  }
0xab: {  	[dreg:$0x4] =	wrdreg $0xC0  }
0xac: {  	_ =	task [dreg:s8], $0x5FFFF  }
0xad: {  	[dreg:$0x1] =	wrdreg $0xFFFFFFFF  }
0xae: {  	[dreg:$0x0] =	wrdreg $0x60  }
0xaf: {  	[dreg:$0x2] =	wrdreg s2  }
0xb0: {  	[dreg:$0x3] =	wrdreg s18  }
0xb1: {  	[dreg:$0x4] =	wrdreg s24  }
0xb2: {  	[dreg:$0x5] =	wrdreg $0x9  }
0xb3: {  	_ =	task.clear_ibuf [dreg:s8], $0x6FFFF;
	_ =	strace $0x90000046  }
0xb4: {  	s29 =	simm.s32 $0x9;
	_ =	strace $0x80000048  }
0xb5: {  	_ =	swait.ge [sflag:s29], $0x1  }
0xb6: {  	[sflag:s29] =	ssyncadd.s32 $0xFFFFFFFF  }
0xb7: {  	_ =	strace $0x90000048  }
0xb8: {  	_ =	sfence  }
0xb9: {  	s30 =	sld [smem:$0x0];
	_ =	sdelay $0x2  }
0xba: {  	s31 =	sshll.u32 s1, $0xD;
	s1 =	sshrl.u32 s1, $0x2  }
0xbb: {  	s3 =	sand.u32 $0x4000, s31;
	s1 =	sadd.s32 s1, s30  }
0xbc: {  	s0 =	sor.u32 s3, s0;
	s1 =	sshll.u32 s1, $0x11  }
0xbd: {  	s0 =	sor.u32 s1, s0  }
0xbe: {  	s0 =	sadd.s32 $0x8F2B, s0  }
0xbf: {  	[sflag:s0] =	ssyncadd.remote.s32 $0x1  }
0xc0: {  	_ =	sfence.sel $0xFFFF  }
0xc1: {  	[dreg:$0x0] =	wrdreg $0xFFFFFFFF;
	(pc) =	sbr.abs _section_cstart, $3  }
0xc2: {  	[dreg:$0x1] =	wrdreg $0xFFFFFFFF  }
0xc3: {  	_ =	task.clear_ibuf [dreg:s8], $0x2FFFF;
	_ =	strace $0x9FFFFFFF  }
0xc4: {  	(tm) =	ssettm $0x7FFFFFFF  }
0xc5: {  	_ =	shalt  }
tec
execute0_lowered:
.L_overlay_start_1:
0x0: {  	(tag) =	ssettag $0x1  }
0x1: {  	s1 =	rddreg [dreg:$0x0]  }
0x2: {  	s3 =	rddreg [dreg:$0x1]  }
0x3: {  	s0 =	srdreg.scid;
	s4 =	stileid.u32  }
0x4: {  	s2 =	rddreg [dreg:$0x2];
	s18 =	simm.s32 $0x2000;
	s19 =	simm.s32 $0x800000  }
0x5: {  	s28 =	simm.s32 $0x1;
	s29 =	simm.s32 $0x5;
	s30 =	simm.s32 $0x19000  }
0x6: {  	s0 =	sand.u32 $0x1, s0;
	s5 =	sshll.u32 s4, $0x1;
	s4 =	simm.s32 $0x0  }
0x7: {  	s31 =	simm.s32 $0x19C00;
	s5 =	sor.u32 s0, s5;
	[smem:$0x7FF] =	sst s4  }
0x8: {  	s0 =	ssub.s32 $0x2, s0;
	s6 =	smul.u32 $0x180, s5;
	_ =	strace $0x80000047  }
0x9: {  	s7 =	sshrl.u32 s0, $0x1;
	s20 =	sshll.u32 s5, $0x8;
	s21 =	sshll.u32 s5, $0xF  }
0xa: {  	s5 =	sshll.u32 s5, $0xC;
	s0 =	ssub.s32 s0, s7;
	s8 =	sor.u32 $0x8, s20  }
0xb: {  	s9 =	sadd.s32 s1, s21;
	s5 =	sadd.s32 s3, s5;
	s11 =	sor.u32 $0x1000, s21  }
0xc: {  	s12 =	sor.u32 $0x1400, s21;
	s13 =	sor.u32 $0x1800, s21;
	s17 =	sor.u32 $0xC00, s21  }
0xd: {  	s21 =	simm.s32 $0x6000;
	s2 =	sadd.s32 s6, s2;
	[dreg:$0x4] =	wrdreg s9  }
0xe: {  	[dreg:$0x5] =	wrdreg s5;
	s22 =	sshll.u32 s8, $0x7;
	s23 =	sshll.u32 s8, $0x4  }
0xf: {  	s6 =	sor.u32 $0x10, s20;
	s0 =	smax.u32 s0, $0x1;
	s20 =	simm.s32 $0x3  }
0x10: {  	s8 =	simm.s32 $0x0;
	s5 =	sadd.s32 s1, s22;
	s24 =	sshll.u32 s6, $0x7  }
0x11: {  	s6 =	sshll.u32 s6, $0x4;
	s26 =	sadd.s32 $0x1000, s2;
	[dreg:$0xc] =	wrdreg s0  }
0x12: {  	s2 =	sadd.s32 $0x4000, s2;
	s0 =	simm.s32 $0x6;
	[dreg:$0x6] =	wrdreg s5  }
0x13: {  	s22 =	simm.s32 $0x7;
	s5 =	sadd.s32 s3, s23;
	[dreg:$0xa] =	wrdreg s26  }
0x14: {  	s25 =	sadd.s32 s3, s6;
	[dreg:$0xb] =	wrdreg s2;
	s23 =	simm.s32 $0xC000  }
0x15: {  	s26 =	simm.s32 $0x18C00;
	s2 =	simm.s32 $0x2;
	[dreg:$0x7] =	wrdreg s5  }
0x16: {  	s5 =	sadd.s32 s1, s24;
	[dreg:$0x9] =	wrdreg s25;
	s25 =	simm.s32 $0x12000  }
0x17: {  	v0 =	vimm.f32 $0.0e+00;
	v1 =	vlaneseq.u32;
	v2 =	vimm.f32 $1.000000000e+00;
	s24 =	simm.s32 $0x4;
	[dreg:$0x8] =	wrdreg s5;
	s5 =	simm.s32 $0x8  }
.LBB2_1:
0x18: {  	[tilespmem:$0x19000] =	vst v0  }
0x19: {  	[tilespmem:$0x19C00] =	vst v0  }
0x1a: {  	[tilespmem:$0x19080] =	vst v0  }
0x1b: {  	[tilespmem:$0x19C80] =	vst v0  }
0x1c: {  	[tilespmem:$0x19100] =	vst v0  }
0x1d: {  	[tilespmem:$0x19D00] =	vst v0  }
0x1e: {  	[tilespmem:$0x19180] =	vst v0  }
0x1f: {  	[tilespmem:$0x19D80] =	vst v0  }
0x20: {  	[tilespmem:$0x19200] =	vst v0  }
0x21: {  	[tilespmem:$0x19E00] =	vst v0  }
0x22: {  	[tilespmem:$0x19280] =	vst v0  }
0x23: {  	[tilespmem:$0x19E80] =	vst v0  }
0x24: {  	[tilespmem:$0x19300] =	vst v0  }
0x25: {  	[tilespmem:$0x19F00] =	vst v0  }
0x26: {  	[tilespmem:$0x19380] =	vst v0  }
0x27: {  	[tilespmem:$0x19F80] =	vst v0  }
0x28: {  	[tilespmem:$0x19400] =	vst v0  }
0x29: {  	[tilespmem:$0x1A000] =	vst v0  }
0x2a: {  	[tilespmem:$0x19480] =	vst v0  }
0x2b: {  	[tilespmem:$0x1A080] =	vst v0  }
0x2c: {  	[tilespmem:$0x19500] =	vst v0  }
0x2d: {  	[tilespmem:$0x1A100] =	vst v0  }
0x2e: {  	[tilespmem:$0x19580] =	vst v0  }
0x2f: {  	[tilespmem:$0x1A180] =	vst v0  }
0x30: {  	[tilespmem:$0x19600] =	vst v0  }
0x31: {  	[tilespmem:$0x1A200] =	vst v0  }
0x32: {  	[tilespmem:$0x19680] =	vst v0  }
0x33: {  	[tilespmem:$0x1A280] =	vst v0  }
0x34: {  	[tilespmem:$0x19700] =	vst v0  }
0x35: {  	[tilespmem:$0x1A300] =	vst v0  }
0x36: {  	[tilespmem:$0x19780] =	vst v0  }
0x37: {  	[tilespmem:$0x1A380] =	vst v0  }
0x38: {  	[tilespmem:$0x19800] =	vst v0  }
0x39: {  	[tilespmem:$0x1A400] =	vst v0  }
0x3a: {  	[tilespmem:$0x19880] =	vst v0  }
0x3b: {  	[tilespmem:$0x1A480] =	vst v0  }
0x3c: {  	[tilespmem:$0x19900] =	vst v0  }
0x3d: {  	[tilespmem:$0x1A500] =	vst v0  }
0x3e: {  	[tilespmem:$0x19980] =	vst v0  }
0x3f: {  	[tilespmem:$0x1A580] =	vst v0  }
0x40: {  	[dreg:$0xd] =	wrdreg s8;
	[tilespmem:$0x19A00] =	vst v0  }
0x41: {  	[tilespmem:$0x1A600] =	vst v0;
	s6 =	rddreg [dreg:$0x4]  }
0x42: {  	[tilespmem:s4], [sflag:$0x1] =	stream.strided.gather [hbm4b:s6+s18], $0x6000, s19, s18, $0x38;
	[tilespmem:$0x1A800] =	vst v63  }
0x43: {  	s16 =	rddreg [dreg:$0x5];
	s7 =	simm.s32 $0x18000  }
0x44: {  	[tilespmem:s7], [sflag:$0x5] =	stream.linear.gather [hbm4b:s16+s4], $0x400, $0x38;
	[tilespmem:$0x1A800] =	vst v63  }
0x45: {  	s8 =	rddreg [dreg:$0x6]  }
0x46: {  	[tilespmem:s21], [sflag:$0x2] =	stream.strided.gather [hbm4b:s8+s18], $0x6000, s19, s18, $0x38;
	[tilespmem:$0x1A800] =	vst v63  }
0x47: {  	s9 =	rddreg [dreg:$0x7];
	s10 =	simm.s32 $0x18400  }
0x48: {  	[tilespmem:s10], [sflag:$0x6] =	stream.linear.gather [hbm4b:s9+s4], $0x400, $0x38;
	[tilespmem:$0x1A800] =	vst v63  }
0x49: {  	s14 =	rddreg [dreg:$0x8]  }
0x4a: {  	[tilespmem:s23], [sflag:$0x3] =	stream.strided.gather [hbm4b:s14+s18], $0x6000, s19, s18, $0x38;
	[tilespmem:$0x1A800] =	vst v63  }
0x4b: {  	s15 =	rddreg [dreg:$0x9];
	s16 =	simm.s32 $0x18800;
	s8 =	simm.s32 $0x0  }
0x4c: {  	[tilespmem:s16], [sflag:$0x7] =	stream.linear.gather [hbm4b:s15+s4], $0x400, $0x38;
	[tilespmem:$0x1A800] =	vst v63  }
.LBB2_2:
0x4d: {  	s9 =	sshll.u32 s8, $0xC  }
0x4e: {  	s10 =	sor.u32 s17, s9  }
0x4f: {  	s14 =	sadd.s32 s1, s10;
	s10 =	sshrl.u32 s10, $0x3  }
0x50: {  	[tilespmem:s25], [sflag:$0x4] =	stream.strided.gather [hbm4b:s14+s18], $0x6000, s19, s18, $0x38;
	[tilespmem:$0x1A800] =	vst v63  }
0x51: {  	s16 =	simm.s32 $0x0;
	s10 =	sadd.s32 s3, s10  }
0x52: {  	[tilespmem:s26], [sflag:$0x8] =	stream.linear.gather [hbm4b:s10+s16], $0x400, $0x38;
	[tilespmem:$0x1A800] =	vst v63  }
0x53: {  	_ =	swait.ge [sflag:s28], $0x6000  }
0x54: {  	[sflag:s28] =	ssyncset.done $0x0  }
0x55: {  	[sflag:s28] =	ssyncadd.s32 $0xFFFFA000  }
0x56: {  	_ =	swait.ge [sflag:s29], $0x400  }
0x57: {  	[sflag:s29] =	ssyncset.done $0x0  }
0x58: {  	s6 =	simm.s32 $0x18020;
	[sflag:s29] =	ssyncadd.s32 $0xFFFFFC00  }
0x59: {  	v3 =	vld [tilespmem:s6+$0x10];
	_ =	sdelay $0x1  }
0x5a: {  	s15 =	simm.s32 $0x30  }
0x5b: {  	v4 =	vmov s15  }
0x5c: {  	v5 =	vor.u32 s15, v1;
	v4 =	vshll.u32 v4, $0x3  }
0x5d: {  	v5 =	vand.u32 $0x7F, v5;
	v4 =	vand.u32 $0x1C00, v4;
	v6 =	vshll.u32 v3, $0xA  }
0x5e: {  	v4 =	vor.u32 v4, v5;
	v7 =	vshll.u32 v3, $0x7;
	v3 =	vand.u32 $0xFFFFE000, v6  }
0x5f: {  	v5 =	vand.u32 $0x380, v7;
	v3 =	vor.u32 v3, v4  }
0x60: {  	v3 =	vor.u32 v5, v3;
	_ =	sdelay $0x4  }
0x61: {  	s7 =	simm.s32 $0x10;
	v12 =	vld.idx.msk [tilespmem:v3+s4+$0x0], $0xffff  }
0x62: {  	v10 =	vmov s7  }
0x63: {  	v8 =	vmov s16;
	v9 =	vor.u32 s16, v1;
	v10 =	vshll.u32 v10, $0x3;
	v4 =	vld [tilespmem:s6+$0xFFFFFFE0]  }
0x64: {  	v8 =	vshll.u32 v8, $0x3;
	v9 =	vand.u32 $0x4F, v9;
	s14 =	simm.s32 $0x20;
	v10 =	vand.u32 $0x1C00, v10;
	v5 =	vld [tilespmem:s6+$0xFFFFFFF0]  }
0x65: {  	v8 =	vand.u32 $0x1C00, v8;
	v11 =	vmov s14;
	v15 =	vor.u32 s14, v1  }
0x66: {  	v8 =	vor.u32 v8, v9;
	v3 =	vor.u32 s7, v1;
	v17 =	vand.u32 $0x7FFFFF, v12  }
0x67: {  	v11 =	vshll.u32 v11, $0x3;
	v3 =	vand.u32 $0x5F, v3;
	v17 =	vor.u32 $0x3F800000, v17  }
0x68: {  	v15 =	vand.u32 $0x6F, v15;
	v6 =	vld [tilespmem:s6+$0x0];
	v3 =	vor.u32 v10, v3;
	v10 =	vadd.f32 $1.000000000e+00, v17  }
0x69: {  	v13 =	vshll.u32 v4, $0xA;
	v4 =	vshll.u32 v4, $0x7;
	v14 =	vshll.u32 v5, $0xA  }
0x6a: {  	v13 =	vand.u32 $0xFFFFE000, v13;
	v5 =	vshll.u32 v5, $0x7;
	(erf) = vrcp.f32 v10  }
0x6b: {  	v9 =	vand.u32 $0x380, v4;
	v14 =	vand.u32 $0xFFFFE000, v14;
	v8 =	vor.u32 v13, v8  }
0x6c: {  	s16 =	simm.s32 $0x18060;
	v8 =	vor.u32 v9, v8;
	v3 =	vor.u32 v14, v3;
	v10 =	vand.u32 $0x380, v5  }
0x6d: {  	v11 =	vand.u32 $0x1C00, v11;
	v22 =	vld [tilespmem:s16+$0xFFFFFFF0];
	v16 =	vshll.u32 v6, $0xA;
	v3 =	vor.u32 v10, v3  }
0x6e: {  	v11 =	vor.u32 v11, v15;
	v24 =	vld [tilespmem:s16+$0x0];
	v6 =	vshll.u32 v6, $0x7;
	v16 =	vand.u32 $0xFFFFE000, v16  }
0x6f: {  	v9 =	vor.u32 v16, v11;
	v10 =	vand.u32 $0x380, v6  }
0x70: {  	v9 =	vor.u32 v10, v9  }
0x71: {  	s15 =	simm.s32 $0x50;
	v8 =	vld.idx.msk [tilespmem:v8+s4+$0x0], $0xffff  }
0x72: {  	v23 =	vmov s15;
	v26 =	vshll.u32 v22, $0xA;
	v10 =	vld.idx.msk [tilespmem:v3+s4+$0x0], $0xffff;
	v3 =	vadd.f32 $-1.000000000e+00, v17  }
0x73: {  	v28 =	vshll.u32 v24, $0xA;
	v22 =	vshll.u32 v22, $0x7;
	v24 =	vshll.u32 v24, $0x7;
	s7 =	simm.s32 $0x70;
	v11 =	vpop (erf)  }
0x74: {  	v20 =	vmov s7;
	v21 =	vor.u32 s7, v1;
	v11 =	vmul.f32 v11, v3  }
0x75: {  	v20 =	vshll.u32 v20, $0x3;
	v12 =	vshra.s32 v12, $0x17;
	v9 =	vld.idx.msk [tilespmem:v9+s4+$0x0], $0xffff;
	v3 =	vor.u32 v1, v5  }
0x76: {  	v5 =	vshra.s32 v8, $0x17;
	v8 =	vand.u32 $0x7FFFFF, v8;
	v14 =	vmul.f32 v11, v11  }
0x77: {  	v20 =	vand.u32 $0x1C00, v20;
	v12 =	vadd.s32 $0xFFFFFF81, v12;
	v8 =	vor.u32 $0x3F800000, v8  }
0x78: {  	v13 =	vand.u32 $0x7FFFFF, v10;
	v16 =	vadd.f32 $1.000000000e+00, v8;
	v18 =	vmul.f32 $2.857142980e-01, v14  }
0x79: {  	v12 =	vcvt.s32.f32 v12;
	v10 =	vshra.s32 v10, $0x17;
	v13 =	vor.u32 $0x3F800000, v13  }
0x7a: {  	v15 =	vand.u32 $0x7FFFFF, v9;
	(erf) = vrcp.f32 v16;
	v16 =	vadd.f32 $4.000000060e-01, v18  }
0x7b: {  	v5 =	vadd.s32 $0xFFFFFF81, v5;
	v17 =	vadd.f32 $1.000000000e+00, v13;
	v15 =	vor.u32 $0x3F800000, v15  }
0x7c: {  	v19 =	vadd.f32 $1.000000000e+00, v15;
	v18 =	vcvt.s32.f32 v5;
	v5 =	vld [tilespmem:s16+$0x10];
	v16 =	vmul.f32 v16, v14  }
0x7d: {  	v12 =	vmul.f32 $6.931471820e-01, v12;
	v10 =	vadd.s32 $0xFFFFFF81, v10;
	(erf) = vrcp.f32 v17  }
0x7e: {  	(erf) = vrcp.f32 v19;
	v19 =	vcvt.s32.f32 v10;
	v10 =	vadd.f32 $6.666666860e-01, v16  }
0x7f: {  	v8 =	vadd.f32 $-1.000000000e+00, v8;
	v9 =	vshra.s32 v9, $0x17;
	v13 =	vadd.f32 $-1.000000000e+00, v13  }
0x80: {  	s6 =	simm.s32 $0x40;
	v17 =	vadd.s32 $0xFFFFFF81, v9;
	v10 =	vmul.f32 v10, v14;
	v14 =	vand.u32 $0x7F, v21  }
0x81: {  	v9 =	vmov s6;
	v14 =	vor.u32 v20, v14;
	v20 =	vshll.u32 v5, $0xA  }
0x82: {  	v5 =	vshll.u32 v5, $0x7;
	v10 =	vadd.f32 $2.000000000e+00, v10;
	v20 =	vand.u32 $0xFFFFE000, v20  }
0x83: {  	v9 =	vshll.u32 v9, $0x3;
	v25 =	vand.u32 $0x380, v5;
	v14 =	vor.u32 v20, v14  }
0x84: {  	v16 =	vor.u32 s6, v1;
	v21 =	vld [tilespmem:s16+$0xFFFFFFE0];
	s16 =	simm.s32 $0x60;
	v11 =	vmul.f32 v10, v11;
	v10 =	vor.u32 v25, v14  }
0x85: {  	v9 =	vand.u32 $0x1C00, v9;
	v16 =	vand.u32 $0x4F, v16;
	v27 =	vor.u32 s16, v1  }
0x86: {  	v15 =	vadd.f32 $-1.000000000e+00, v15;
	v9 =	vor.u32 v9, v16;
	v27 =	vand.u32 $0x6F, v27  }
0x87: {  	v20 =	vshll.u32 v23, $0x3;
	v23 =	vor.u32 s15, v1;
	v14 =	vmov s16  }
0x88: {  	v20 =	vand.u32 $0x1C00, v20;
	v23 =	vand.u32 $0x5F, v23;
	v14 =	vshll.u32 v14, $0x3  }
0x89: {  	v25 =	vshll.u32 v21, $0xA;
	v21 =	vshll.u32 v21, $0x7;
	v29 =	vand.u32 $0x1C00, v14;
	v14 =	vld.idx.msk [tilespmem:v10+s4+$0x0], $0xffff  }
0x8a: {  	v20 =	vor.u32 v20, v23;
	v10 =	vand.u32 $0xFFFFE000, v25;
	v25 =	vand.u32 $0xFFFFE000, v26  }
0x8b: {  	v23 =	vor.u32 v29, v27;
	v26 =	vand.u32 $0xFFFFE000, v28;
	v16 =	vor.u32 v25, v20  }
0x8c: {  	v20 =	vor.u32 v26, v23;
	v23 =	vand.u32 $0x380, v21;
	v9 =	vor.u32 v10, v9  }
0x8d: {  	v17 =	vcvt.s32.f32 v17;
	v31 =	vadd.f32 v11, v12;
	v23 =	vor.u32 v23, v9  }
0x8e: {  	v12 =	vmul.f32 $6.931471820e-01, v19;
	v10 =	vand.u32 $0x380, v22;
	v25 =	vpop (erf);
	v26 =	vand.u32 $0x7FFFFF, v14  }
0x8f: {  	v16 =	vor.u32 v10, v16;
	v27 =	vpop (erf);
	v28 =	vmul.f32 v25, v8;
	v25 =	vor.u32 $0x3F800000, v26  }
0x90: {  	v8 =	vpop (erf);
	v10 =	vmul.f32 v27, v13;
	v26 =	vand.u32 $0x380, v24;
	v13 =	vadd.f32 $1.000000000e+00, v25  }
0x91: {  	v9 =	vmul.f32 v8, v15;
	v15 =	vmul.f32 v28, v28;
	v20 =	vor.u32 v26, v20  }
0x92: {  	v30 =	vor.u32 v1, v7;
	v27 =	vmul.f32 v10, v10;
	v23 =	vld.idx.msk [tilespmem:v23+s4+$0x0], $0xffff;
	(erf) = vrcp.f32 v13  }
0x93: {  	v4 =	vor.u32 v1, v4;
	v29 =	vmul.f32 v9, v9;
	v8 =	vmul.f32 $2.857142980e-01, v15  }
0x94: {  	v6 =	vor.u32 v1, v6;
	v7 =	vmul.f32 $2.857142980e-01, v27;
	v13 =	vmul.f32 $6.931471820e-01, v18  }
0x95: {  	v16 =	vld.idx.msk [tilespmem:v16+s4+$0x0], $0xffff;
	v11 =	vmul.f32 $2.857142980e-01, v29;
	v26 =	vadd.f32 $4.000000060e-01, v8;
	v8 =	vor.u32 v1, v21  }
0x96: {  	v18 =	vadd.f32 $4.000000060e-01, v7;
	v7 =	vor.u32 v1, v22;
	v22 =	vadd.f32 $-1.000000000e+00, v25;
	v32 =	vld.idx.msk [tilespmem:v20+s4+$0x0], $0xffff  }
0x97: {  	v19 =	vadd.f32 $4.000000060e-01, v11;
	v20 =	vmul.f32 v26, v15;
	v21 =	vand.u32 $0x7FFFFF, v23  }
0x98: {  	v11 =	vmul.f32 $6.931471820e-01, v17;
	v17 =	vmul.f32 v18, v27;
	v21 =	vor.u32 $0x3F800000, v21  }
0x99: {  	v18 =	vmul.f32 v19, v29;
	v19 =	vshra.s32 v23, $0x17;
	v23 =	vadd.f32 $6.666666860e-01, v20  }
0x9a: {  	v20 =	vand.u32 $0x7FFFFF, v16;
	v33 =	vadd.f32 $1.000000000e+00, v21;
	v21 =	vadd.f32 $-1.000000000e+00, v21  }
0x9b: {  	v16 =	vshra.s32 v16, $0x17;
	v20 =	vor.u32 $0x3F800000, v20;
	v26 =	vand.u32 $0x7FFFFF, v32;
	v25 =	vpop (erf)  }
0x9c: {  	v34 =	vadd.f32 $1.000000000e+00, v20;
	v26 =	vor.u32 $0x3F800000, v26;
	v25 =	vmul.f32 v25, v22  }
0x9d: {  	(erf) = vrcp.f32 v33;
	v61 =	vadd.f32 $1.000000000e+00, v26;
	v22 =	vadd.f32 $-1.000000000e+00, v20  }
0x9e: {  	v20 =	vadd.f32 $-1.000000000e+00, v26;
	(erf) = vrcp.f32 v34;
	v26 =	vmul.f32 v25, v25  }
0x9f: {  	v17 =	vadd.f32 $6.666666860e-01, v17;
	v19 =	vadd.s32 $0xFFFFFF81, v19;
	(erf) = vrcp.f32 v61  }
0xa0: {  	v16 =	vadd.s32 $0xFFFFFF81, v16;
	v18 =	vadd.f32 $6.666666860e-01, v18;
	v62 =	vmul.f32 $2.857142980e-01, v26  }
0xa1: {  	v15 =	vmul.f32 v23, v15;
	v23 =	vshra.s32 v32, $0x17;
	v17 =	vmul.f32 v17, v27  }
0xa2: {  	v27 =	vmul.f32 v18, v29;
	v29 =	vadd.s32 $0xFFFFFF81, v23;
	v32 =	vadd.f32 $4.000000060e-01, v62  }
0xa3: {  	v63 =	vadd.f32 $2.000000000e+00, v15;
	v18 =	vcvt.s32.f32 v19;
	v23 =	vadd.f32 $2.000000000e+00, v17  }
0xa4: {  	[tilespmem:v30+s30+$0x0] =	vst.idx.add.f32.msk $0xffff, v31;
	v17 =	vcvt.s32.f32 v16;
	v19 =	vadd.f32 $2.000000000e+00, v27;
	v27 =	vmul.f32 v32, v26  }
0xa5: {  	s14 =	simm.s32 $0x80;
	s10 =	simm.s32 $0x4;
	s15 =	simm.s32 $0x180A0;
	[tilespmem:v30+s31+$0x0] =	vst.idx.add.f32.msk $0xffff, v2;
	v15 =	vor.u32 v1, v24;
	v16 =	vcvt.s32.f32 v29;
	v24 =	vmul.f32 v63, v28  }
.LBB2_3:
0xa6: {  	v28 =	vmov s14;
	v29 =	vor.u32 s14, v1;
	s16 =	sadd.s32 $0x10, s14;
	s6 =	sadd.s32 $0x20, s14;
	s7 =	sadd.s32 $0x30, s14;
	v30 =	vld [tilespmem:s15+$0x10];
	v38 =	vadd.f32 $6.666666860e-01, v27;
	v31 =	vpop (erf)  }
0xa7: {  	s10 =	sadd.s32 $0x4, s10;
	v32 =	vld [tilespmem:s15+$0xFFFFFFF0];
	v33 =	vmov s16;
	v34 =	vmov s7;
	v35 =	vor.u32 s7, v1;
	v36 =	vpop (erf)  }
0xa8: {  	v14 =	vshra.s32 v14, $0x17;
	p0 =	slt.u32 s10, $0x3C;
	v37 =	vld [tilespmem:s15+$0x0];
	v34 =	vshll.u32 v34, $0x3;
	v26 =	vmul.f32 v38, v26;
	v27 =	vpop (erf)  }
0xa9: {  	v14 =	vadd.s32 $0xFFFFFF81, v14;
	v35 =	vand.u32 $0x7F, v35;
	v38 =	vld [tilespmem:s15+$0xFFFFFFE0];
	v34 =	vand.u32 $0x1C00, v34  }
0xaa: {  	v14 =	vcvt.s32.f32 v14;
	v34 =	vor.u32 v34, v35;
	v26 =	vadd.f32 $2.000000000e+00, v26  }
0xab: {  	v39 =	vor.u32 v1, v5;
	v35 =	vshll.u32 v30, $0xA;
	v5 =	vshll.u32 v30, $0x7  }
0xac: {  	v14 =	vmul.f32 $6.931471820e-01, v14;
	v30 =	vand.u32 $0xFFFFE000, v35;
	v25 =	vmul.f32 v26, v25  }
0xad: {  	v26 =	vmov s6;
	v35 =	vand.u32 $0x380, v5;
	v30 =	vor.u32 v30, v34  }
0xae: {  	v33 =	vshll.u32 v33, $0x3;
	v30 =	vor.u32 v35, v30;
	v14 =	vadd.f32 v25, v14  }
0xaf: {  	v26 =	vshll.u32 v26, $0x3;
	v25 =	vshll.u32 v28, $0x3;
	v28 =	vor.u32 s16, v1  }
0xb0: {  	v40 =	vor.u32 s6, v1;
	v34 =	vshll.u32 v38, $0xA;
	v35 =	vshll.u32 v32, $0xA;
	[tilespmem:v39+s30+$0x0] =	vst.idx.add.f32.msk $0xffff, v14  }
0xb1: {  	v33 =	vand.u32 $0x1C00, v33;
	v41 =	vshll.u32 v37, $0xA;
	v26 =	vand.u32 $0x1C00, v26;
	[tilespmem:v39+s31+$0x0] =	vst.idx.add.f32.msk $0xffff, v2  }
0xb2: {  	v25 =	vand.u32 $0x1C00, v25;
	v28 =	vand.u32 $0x5F, v28;
	v39 =	vand.u32 $0x6F, v40  }
0xb3: {  	v29 =	vand.u32 $0x4F, v29;
	v34 =	vand.u32 $0xFFFFE000, v34;
	v35 =	vand.u32 $0xFFFFE000, v35;
	v14 =	vld.idx.msk [tilespmem:v30+s4+$0x0], $0xffff  }
0xb4: {  	v32 =	vshll.u32 v32, $0x7;
	v30 =	vshll.u32 v38, $0x7;
	v38 =	vand.u32 $0xFFFFE000, v41  }
0xb5: {  	v28 =	vor.u32 v33, v28;
	v33 =	vshll.u32 v37, $0x7;
	v26 =	vor.u32 v26, v39  }
0xb6: {  	v25 =	vor.u32 v25, v29;
	v28 =	vor.u32 v35, v28;
	v26 =	vor.u32 v38, v26  }
0xb7: {  	v25 =	vor.u32 v34, v25;
	v34 =	vand.u32 $0x380, v32;
	v29 =	vand.u32 $0x380, v30  }
0xb8: {  	v28 =	vor.u32 v34, v28;
	v25 =	vor.u32 v29, v25;
	v29 =	vand.u32 $0x380, v33  }
0xb9: {  	v31 =	vmul.f32 v31, v21;
	v26 =	vor.u32 v29, v26;
	v29 =	vand.u32 $0x7FFFFF, v14  }
0xba: {  	v22 =	vmul.f32 v36, v22;
	v20 =	vmul.f32 v27, v20;
	v21 =	vor.u32 $0x3F800000, v29  }
0xbb: {  	v23 =	vmul.f32 v23, v10;
	v29 =	vmul.f32 v31, v31;
	v27 =	vadd.f32 $1.000000000e+00, v21  }
0xbc: {  	v24 =	vadd.f32 v24, v13;
	v10 =	vmovc v22;
	v35 =	vmul.f32 v20, v20;
	v34 =	vmul.f32 v22, v22  }
0xbd: {  	v23 =	vadd.f32 v23, v12;
	v13 =	vmul.f32 $2.857142980e-01, v29;
	v22 =	vld.idx.msk [tilespmem:v25+s4+$0x0], $0xffff;
	(erf) = vrcp.f32 v27  }
0xbe: {  	v12 =	vmul.f32 $2.857142980e-01, v34;
	v25 =	vor.u32 v1, v30;
	v27 =	vld.idx.msk [tilespmem:v28+s4+$0x0], $0xffff;
	v28 =	vmul.f32 $2.857142980e-01, v35  }
0xbf: {  	v30 =	vld.idx.msk [tilespmem:v26+s4+$0x0], $0xffff;
	v26 =	vadd.f32 $4.000000060e-01, v13;
	v13 =	vmul.f32 $6.931471820e-01, v18;
	v18 =	vmul.f32 v19, v9;
	v9 =	vmovc v20  }
0xc0: {  	v19 =	vadd.f32 $4.000000060e-01, v12;
	v12 =	vmul.f32 $6.931471820e-01, v17;
	v17 =	vadd.f32 $4.000000060e-01, v28;
	[tilespmem:v4+s30+$0x0] =	vst.idx.add.f32.msk $0xffff, v24  }
0xc1: {  	v20 =	vmul.f32 v26, v29;
	[tilespmem:v4+s31+$0x0] =	vst.idx.add.f32.msk $0xffff, v2;
	v18 =	vadd.f32 v18, v11;
	v11 =	vmul.f32 $6.931471820e-01, v16  }
0xc2: {  	v16 =	vor.u32 v1, v32;
	v19 =	vmul.f32 v19, v34;
	v4 =	vmovc v8;
	v17 =	vmul.f32 v17, v35  }
0xc3: {  	v8 =	vmovc v25;
	v24 =	vshra.s32 v22, $0x17;
	v22 =	vand.u32 $0x7FFFFF, v22;
	v28 =	vadd.f32 $6.666666860e-01, v20;
	[tilespmem:v3+s30+$0x0] =	vst.idx.add.f32.msk $0xffff, v23  }
0xc4: {  	v20 =	vor.u32 $0x3F800000, v22;
	v36 =	vand.u32 $0x7FFFFF, v27;
	v19 =	vadd.f32 $6.666666860e-01, v19;
	[tilespmem:v3+s31+$0x0] =	vst.idx.add.f32.msk $0xffff, v2;
	v3 =	vmovc v7;
	v7 =	vmovc v16  }
0xc5: {  	v23 =	vadd.f32 $-1.000000000e+00, v21;
	v16 =	vor.u32 $0x3F800000, v36;
	v25 =	vand.u32 $0x7FFFFF, v30;
	[tilespmem:v6+s30+$0x0] =	vst.idx.add.f32.msk $0xffff, v18  }
0xc6: {  	v18 =	vadd.f32 $1.000000000e+00, v20;
	v32 =	vadd.f32 $1.000000000e+00, v16;
	v26 =	vor.u32 $0x3F800000, v25;
	v22 =	vpop (erf);
	[tilespmem:v6+s31+$0x0] =	vst.idx.add.f32.msk $0xffff, v2  }
0xc7: {  	v21 =	vadd.f32 $-1.000000000e+00, v20;
	v36 =	vadd.f32 $1.000000000e+00, v26;
	v6 =	vmovc v15;
	v25 =	vmul.f32 v22, v23  }
0xc8: {  	v20 =	vadd.f32 $-1.000000000e+00, v26;
	v22 =	vadd.f32 $-1.000000000e+00, v16;
	(erf) = vrcp.f32 v18  }
0xc9: {  	v15 =	vadd.f32 $6.666666860e-01, v17;
	v26 =	vmul.f32 v25, v25;
	(erf) = vrcp.f32 v32  }
0xca: {  	v17 =	vmul.f32 v28, v29;
	v16 =	vshra.s32 v27, $0x17;
	(erf) = vrcp.f32 v36  }
0xcb: {  	v19 =	vmul.f32 v19, v34;
	v18 =	vshra.s32 v30, $0x17;
	v23 =	vmul.f32 $2.857142980e-01, v26  }
.Ltmp0:
0xcc: {  	v24 =	vadd.s32 $0xFFFFFF81, v24;
	v16 =	vadd.s32 $0xFFFFFF81, v16;
	v15 =	vmul.f32 v15, v35;
	(pc) =	sbr.rel @p0 .LBB2_3-.Ltmp0, $4  }
0xcd: {  	v29 =	vadd.f32 $2.000000000e+00, v17;
	v28 =	vadd.s32 $0xFFFFFF81, v18;
	v27 =	vadd.f32 $4.000000060e-01, v23  }
0xce: {  	v18 =	vcvt.s32.f32 v24;
	v23 =	vadd.f32 $2.000000000e+00, v19;
	v19 =	vadd.f32 $2.000000000e+00, v15  }
0xcf: {  	v17 =	vcvt.s32.f32 v16;
	v15 =	vor.u32 v1, v33;
	v27 =	vmul.f32 v27, v26  }
0xd0: {  	s14 =	sadd.s32 $0x40, s14;
	s15 =	sadd.s32 $0x40, s15;
	v16 =	vcvt.s32.f32 v28;
	v24 =	vmul.f32 v29, v31  }
0xd1: {  	v28 =	vpop (erf)  }
0xd2: {  	v21 =	vmul.f32 v28, v21  }
0xd3: {  	v27 =	vadd.f32 $6.666666860e-01, v27;
	v28 =	vpop (erf)  }
0xd4: {  	v29 =	vpop (erf);
	v22 =	vmul.f32 v28, v22;
	v28 =	vmul.f32 v21, v21  }
0xd5: {  	v14 =	vshra.s32 v14, $0x17;
	v26 =	vmul.f32 v27, v26;
	v20 =	vmul.f32 v29, v20  }
0xd6: {  	v14 =	vadd.s32 $0xFFFFFF81, v14;
	v27 =	vmul.f32 v22, v22;
	v29 =	vmul.f32 $2.857142980e-01, v28  }
0xd7: {  	v14 =	vcvt.s32.f32 v14;
	v26 =	vadd.f32 $2.000000000e+00, v26  }
0xd8: {  	v30 =	vmul.f32 v20, v20;
	v31 =	vmul.f32 $2.857142980e-01, v27;
	v29 =	vadd.f32 $4.000000060e-01, v29  }
0xd9: {  	v5 =	vor.u32 v1, v5;
	v14 =	vmul.f32 $6.931471820e-01, v14;
	v25 =	vmul.f32 v26, v25  }
0xda: {  	v26 =	vmul.f32 $2.857142980e-01, v30;
	v31 =	vadd.f32 $4.000000060e-01, v31;
	v29 =	vmul.f32 v29, v28  }
0xdb: {  	v14 =	vadd.f32 v25, v14  }
0xdc: {  	v25 =	vadd.f32 $4.000000060e-01, v26;
	v26 =	vmul.f32 v31, v27;
	v29 =	vadd.f32 $6.666666860e-01, v29  }
0xdd: {  	v10 =	vmul.f32 v23, v10;
	v13 =	vadd.f32 v24, v13  }
0xde: {  	[tilespmem:v5+s30+$0x0] =	vst.idx.add.f32.msk $0xffff, v14;
	v14 =	vmul.f32 v25, v30;
	v23 =	vadd.f32 $6.666666860e-01, v26;
	v24 =	vmul.f32 v29, v28  }
0xdf: {  	v9 =	vmul.f32 v19, v9;
	[tilespmem:v5+s31+$0x0] =	vst.idx.add.f32.msk $0xffff, v2;
	v5 =	vadd.f32 v10, v12  }
0xe0: {  	[tilespmem:v4+s30+$0x0] =	vst.idx.add.f32.msk $0xffff, v13;
	v10 =	vadd.f32 $6.666666860e-01, v14;
	v12 =	vmul.f32 v23, v27;
	v13 =	vadd.f32 $2.000000000e+00, v24  }
0xe1: {  	[tilespmem:v4+s31+$0x0] =	vst.idx.add.f32.msk $0xffff, v2;
	v4 =	vadd.f32 v9, v11;
	v14 =	vmul.f32 $6.931471820e-01, v18  }
0xe2: {  	[tilespmem:v3+s30+$0x0] =	vst.idx.add.f32.msk $0xffff, v5;
	v5 =	vmul.f32 v10, v30;
	v9 =	vadd.f32 $2.000000000e+00, v12;
	v10 =	vmul.f32 v13, v21  }
0xe3: {  	v11 =	vmul.f32 $6.931471820e-01, v17;
	[tilespmem:v6+s30+$0x0] =	vst.idx.add.f32.msk $0xffff, v4  }
0xe4: {  	[tilespmem:v3+s31+$0x0] =	vst.idx.add.f32.msk $0xffff, v2;
	v3 =	vadd.f32 $2.000000000e+00, v5;
	v4 =	vmul.f32 v9, v22;
	v5 =	vadd.f32 v10, v14  }
0xe5: {  	[tilespmem:v6+s31+$0x0] =	vst.idx.add.f32.msk $0xffff, v2  }
0xe6: {  	v6 =	vmul.f32 $6.931471820e-01, v16;
	v3 =	vmul.f32 v3, v20;
	v4 =	vadd.f32 v4, v11;
	[tilespmem:v8+s30+$0x0] =	vst.idx.add.f32.msk $0xffff, v5  }
0xe7: {  	[tilespmem:v8+s31+$0x0] =	vst.idx.add.f32.msk $0xffff, v2  }
0xe8: {  	v3 =	vadd.f32 v3, v6;
	[tilespmem:v7+s30+$0x0] =	vst.idx.add.f32.msk $0xffff, v4  }
0xe9: {  	p0 =	seq.s32 s8, $0x7;
	[tilespmem:v7+s31+$0x0] =	vst.idx.add.f32.msk $0xffff, v2  }
0xea: {  	s6 =	sadd.s32 @!p0 s9, s11;
	s10 =	simm.s32 @!p0 $0x2000;
	s14 =	simm.s32 @!p0 $0x800000;
	[tilespmem:v15+s30+$0x0] =	vst.idx.add.f32.msk $0xffff, v3  }
0xeb: {  	s15 =	simm.s32 @!p0 $0x0;
	s7 =	sadd.s32 @!p0 s1, s6;
	s6 =	sshrl.u32 @!p0 s6, $0x3;
	[tilespmem:v15+s31+$0x0] =	vst.idx.add.f32.msk $0xffff, v2  }
0xec: {  	[tilespmem:s15], [sflag:$0x1] =	stream.strided.gather @!p0 [hbm4b:s7+s10], $0x6000, s14, s10, $0x38;
	[tilespmem:$0x1A800] =	vst v63  }
0xed: {  	s6 =	sadd.s32 @!p0 s3, s6;
	s7 =	simm.s32 @!p0 $0x18000  }
0xee: {  	[tilespmem:s7], [sflag:$0x5] =	stream.linear.gather @!p0 [hbm4b:s6+s15], $0x400, $0x38;
	[tilespmem:$0x1A800] =	vst v63  }
0xef: {  	_ =	swait.ge [sflag:s2], $0x6000  }
0xf0: {  	[sflag:s2] =	ssyncset.done $0x0  }
0xf1: {  	[sflag:s2] =	ssyncadd.s32 $0xFFFFA000  }
0xf2: {  	_ =	swait.ge [sflag:s0], $0x400  }
0xf3: {  	[sflag:s0] =	ssyncset.done $0x0  }
0xf4: {  	s15 =	simm.s32 $0x18420;
	[sflag:s0] =	ssyncadd.s32 $0xFFFFFC00  }
0xf5: {  	v3 =	vld [tilespmem:s15+$0x10];
	_ =	sdelay $0x1  }
0xf6: {  	s16 =	simm.s32 $0x30  }
0xf7: {  	v4 =	vmov s16  }
0xf8: {  	v5 =	vor.u32 s16, v1;
	v4 =	vshll.u32 v4, $0x3  }
0xf9: {  	v5 =	vand.u32 $0x7F, v5;
	v4 =	vand.u32 $0x1C00, v4;
	v6 =	vshll.u32 v3, $0xA  }
0xfa: {  	v4 =	vor.u32 v4, v5;
	v7 =	vshll.u32 v3, $0x7;
	v3 =	vand.u32 $0xFFFFE000, v6  }
0xfb: {  	v5 =	vand.u32 $0x380, v7;
	v3 =	vor.u32 v3, v4  }
0xfc: {  	v3 =	vor.u32 v5, v3;
	_ =	sdelay $0x4  }
0xfd: {  	s10 =	simm.s32 $0x0;
	v12 =	vld.idx.msk [tilespmem:v3+s21+$0x0], $0xffff  }
0xfe: {  	s14 =	simm.s32 $0x10;
	v8 =	vmov s10;
	v6 =	vld [tilespmem:s15+$0x0]  }
0xff: {  	v9 =	vor.u32 s10, v1;
	v10 =	vmov s14;
	v8 =	vshll.u32 v8, $0x3;
	v4 =	vld [tilespmem:s15+$0xFFFFFFE0]  }
0x100: {  	v10 =	vshll.u32 v10, $0x3;
	v9 =	vand.u32 $0x4F, v9;
	v8 =	vand.u32 $0x1C00, v8;
	v5 =	vld [tilespmem:s15+$0xFFFFFFF0];
	s15 =	simm.s32 $0x20  }
0x101: {  	v10 =	vand.u32 $0x1C00, v10;
	v8 =	vor.u32 v8, v9;
	v11 =	vmov s15  }
0x102: {  	v15 =	vor.u32 s15, v1;
	v3 =	vor.u32 s14, v1;
	v17 =	vand.u32 $0x7FFFFF, v12  }
0x103: {  	v11 =	vshll.u32 v11, $0x3;
	v3 =	vand.u32 $0x5F, v3;
	v17 =	vor.u32 $0x3F800000, v17  }
0x104: {  	v15 =	vand.u32 $0x6F, v15;
	v3 =	vor.u32 v10, v3;
	v10 =	vadd.f32 $1.000000000e+00, v17  }
0x105: {  	v13 =	vshll.u32 v4, $0xA;
	v4 =	vshll.u32 v4, $0x7;
	v14 =	vshll.u32 v5, $0xA  }
0x106: {  	v13 =	vand.u32 $0xFFFFE000, v13;
	v5 =	vshll.u32 v5, $0x7;
	(erf) = vrcp.f32 v10  }
0x107: {  	s16 =	simm.s32 $0x18460;
	v9 =	vand.u32 $0x380, v4;
	v14 =	vand.u32 $0xFFFFE000, v14;
	v8 =	vor.u32 v13, v8  }
0x108: {  	v22 =	vld [tilespmem:s16+$0xFFFFFFF0];
	v8 =	vor.u32 v9, v8;
	v3 =	vor.u32 v14, v3;
	v10 =	vand.u32 $0x380, v5  }
0x109: {  	v24 =	vld [tilespmem:s16+$0x0];
	v16 =	vshll.u32 v6, $0xA;
	v11 =	vand.u32 $0x1C00, v11;
	v3 =	vor.u32 v10, v3  }
0x10a: {  	v6 =	vshll.u32 v6, $0x7;
	v16 =	vand.u32 $0xFFFFE000, v16;
	v11 =	vor.u32 v11, v15  }
0x10b: {  	v9 =	vor.u32 v16, v11;
	v10 =	vand.u32 $0x380, v6  }
0x10c: {  	v9 =	vor.u32 v10, v9  }
0x10d: {  	v8 =	vld.idx.msk [tilespmem:v8+s21+$0x0], $0xffff  }
0x10e: {  	v26 =	vshll.u32 v22, $0xA;
	v28 =	vshll.u32 v24, $0xA;
	v10 =	vld.idx.msk [tilespmem:v3+s21+$0x0], $0xffff;
	v3 =	vadd.f32 $-1.000000000e+00, v17  }
0x10f: {  	v22 =	vshll.u32 v22, $0x7;
	v24 =	vshll.u32 v24, $0x7;
	v59 =	vor.u32 v1, v7;
	s15 =	simm.s32 $0x50;
	s14 =	simm.s32 $0x70;
	v11 =	vpop (erf)  }
0x110: {  	v23 =	vmov s15;
	v20 =	vmov s14;
	v11 =	vmul.f32 v11, v3  }
0x111: {  	v21 =	vor.u32 s14, v1;
	v20 =	vshll.u32 v20, $0x3;
	v9 =	vld.idx.msk [tilespmem:v9+s21+$0x0], $0xffff;
	v3 =	vor.u32 v1, v5  }
0x112: {  	v5 =	vshra.s32 v8, $0x17;
	v8 =	vand.u32 $0x7FFFFF, v8;
	v14 =	vmul.f32 v11, v11  }
0x113: {  	v20 =	vand.u32 $0x1C00, v20;
	v12 =	vshra.s32 v12, $0x17;
	v8 =	vor.u32 $0x3F800000, v8  }
0x114: {  	v13 =	vand.u32 $0x7FFFFF, v10;
	v16 =	vadd.f32 $1.000000000e+00, v8;
	v18 =	vmul.f32 $2.857142980e-01, v14  }
0x115: {  	v12 =	vadd.s32 $0xFFFFFF81, v12;
	v10 =	vshra.s32 v10, $0x17;
	v13 =	vor.u32 $0x3F800000, v13  }
0x116: {  	v15 =	vand.u32 $0x7FFFFF, v9;
	(erf) = vrcp.f32 v16;
	v16 =	vadd.f32 $4.000000060e-01, v18  }
0x117: {  	v5 =	vadd.s32 $0xFFFFFF81, v5;
	v17 =	vadd.f32 $1.000000000e+00, v13;
	v15 =	vor.u32 $0x3F800000, v15  }
0x118: {  	v19 =	vadd.f32 $1.000000000e+00, v15;
	v18 =	vcvt.s32.f32 v5;
	v5 =	vld [tilespmem:s16+$0x10];
	v16 =	vmul.f32 v16, v14  }
0x119: {  	v12 =	vcvt.s32.f32 v12;
	v10 =	vadd.s32 $0xFFFFFF81, v10;
	(erf) = vrcp.f32 v17  }
0x11a: {  	(erf) = vrcp.f32 v19;
	v19 =	vcvt.s32.f32 v10;
	v10 =	vadd.f32 $6.666666860e-01, v16  }
0x11b: {  	v12 =	vmul.f32 $6.931471820e-01, v12;
	v8 =	vadd.f32 $-1.000000000e+00, v8;
	v9 =	vshra.s32 v9, $0x17  }
0x11c: {  	s10 =	simm.s32 $0x40;
	v17 =	vadd.s32 $0xFFFFFF81, v9;
	v10 =	vmul.f32 v10, v14;
	v14 =	vand.u32 $0x7F, v21  }
0x11d: {  	v9 =	vmov s10;
	v14 =	vor.u32 v20, v14;
	v20 =	vshll.u32 v5, $0xA  }
0x11e: {  	v5 =	vshll.u32 v5, $0x7;
	v10 =	vadd.f32 $2.000000000e+00, v10;
	v20 =	vand.u32 $0xFFFFE000, v20  }
0x11f: {  	v9 =	vshll.u32 v9, $0x3;
	v21 =	vld [tilespmem:s16+$0xFFFFFFE0];
	v25 =	vand.u32 $0x380, v5;
	v14 =	vor.u32 v20, v14  }
0x120: {  	v16 =	vor.u32 s10, v1;
	v11 =	vmul.f32 v10, v11;
	v10 =	vor.u32 v25, v14  }
0x121: {  	v13 =	vadd.f32 $-1.000000000e+00, v13;
	v9 =	vand.u32 $0x1C00, v9;
	v16 =	vand.u32 $0x4F, v16;
	s16 =	simm.s32 $0x60  }
0x122: {  	v9 =	vor.u32 v9, v16;
	v27 =	vor.u32 s16, v1;
	v20 =	vshll.u32 v23, $0x3  }
0x123: {  	v23 =	vor.u32 s15, v1;
	v14 =	vmov s16;
	v20 =	vand.u32 $0x1C00, v20  }
0x124: {  	v23 =	vand.u32 $0x5F, v23;
	v14 =	vshll.u32 v14, $0x3;
	v25 =	vshll.u32 v21, $0xA  }
0x125: {  	v29 =	vand.u32 $0x1C00, v14;
	v14 =	vld.idx.msk [tilespmem:v10+s21+$0x0], $0xffff;
	v10 =	vand.u32 $0xFFFFE000, v25;
	v25 =	vand.u32 $0xFFFFE000, v26  }
0x126: {  	v27 =	vand.u32 $0x6F, v27;
	v21 =	vshll.u32 v21, $0x7;
	v20 =	vor.u32 v20, v23  }
0x127: {  	v23 =	vor.u32 v29, v27;
	v26 =	vand.u32 $0xFFFFE000, v28;
	v16 =	vor.u32 v25, v20  }
0x128: {  	v20 =	vor.u32 v26, v23;
	v23 =	vand.u32 $0x380, v21;
	v9 =	vor.u32 v10, v9;
	v25 =	vpop (erf)  }
0x129: {  	v15 =	vadd.f32 $-1.000000000e+00, v15;
	v10 =	vand.u32 $0x380, v22;
	v23 =	vor.u32 v23, v9;
	v27 =	vpop (erf)  }
0x12a: {  	v16 =	vor.u32 v10, v16;
	v28 =	vmul.f32 v25, v8;
	v26 =	vand.u32 $0x7FFFFF, v14;
	v8 =	vpop (erf)  }
0x12b: {  	v10 =	vmul.f32 v27, v13;
	v25 =	vor.u32 $0x3F800000, v26;
	v9 =	vmul.f32 v8, v15  }
0x12c: {  	v26 =	vand.u32 $0x380, v24;
	v15 =	vmul.f32 v28, v28;
	v13 =	vadd.f32 $1.000000000e+00, v25  }
0x12d: {  	v8 =	vor.u32 v26, v20;
	v27 =	vmul.f32 v10, v10;
	v29 =	vmul.f32 v9, v9  }
0x12e: {  	v4 =	vor.u32 v1, v4;
	(erf) = vrcp.f32 v13;
	v13 =	vmul.f32 $2.857142980e-01, v15  }
0x12f: {  	v6 =	vor.u32 v1, v6;
	v17 =	vcvt.s32.f32 v17;
	v60 =	vadd.f32 v11, v12;
	v16 =	vld.idx.msk [tilespmem:v16+s21+$0x0], $0xffff  }
0x130: {  	v20 =	vld.idx.msk [tilespmem:v23+s21+$0x0], $0xffff;
	v23 =	vmul.f32 $2.857142980e-01, v27;
	v11 =	vmul.f32 $2.857142980e-01, v29;
	v26 =	vadd.f32 $4.000000060e-01, v13  }
0x131: {  	v7 =	vor.u32 v1, v21;
	v12 =	vmul.f32 $6.931471820e-01, v19;
	v13 =	vmul.f32 $6.931471820e-01, v18  }
0x132: {  	v18 =	vadd.f32 $4.000000060e-01, v23;
	v23 =	vld.idx.msk [tilespmem:v8+s21+$0x0], $0xffff;
	v19 =	vadd.f32 $4.000000060e-01, v11;
	v21 =	vmul.f32 v26, v15  }
0x133: {  	v11 =	vmul.f32 $6.931471820e-01, v17;
	v8 =	vor.u32 v1, v22;
	v22 =	vadd.f32 $-1.000000000e+00, v25  }
0x134: {  	v17 =	vmul.f32 v18, v27;
	v32 =	vadd.f32 $6.666666860e-01, v21;
	v21 =	vand.u32 $0x7FFFFF, v16  }
0x135: {  	v18 =	vmul.f32 v19, v29;
	v19 =	vshra.s32 v20, $0x17;
	v20 =	vand.u32 $0x7FFFFF, v20  }
0x136: {  	v20 =	vor.u32 $0x3F800000, v20;
	v17 =	vadd.f32 $6.666666860e-01, v17;
	v16 =	vshra.s32 v16, $0x17  }
0x137: {  	v26 =	vor.u32 $0x3F800000, v21;
	v34 =	vadd.f32 $1.000000000e+00, v20;
	v33 =	vand.u32 $0x7FFFFF, v23;
	v21 =	vpop (erf)  }
0x138: {  	v35 =	vadd.f32 $1.000000000e+00, v26;
	v33 =	vor.u32 $0x3F800000, v33;
	v25 =	vmul.f32 v21, v22  }
0x139: {  	v19 =	vadd.s32 $0xFFFFFF81, v19;
	(erf) = vrcp.f32 v34;
	v61 =	vadd.f32 $1.000000000e+00, v33  }
0x13a: {  	v22 =	vadd.f32 $-1.000000000e+00, v26;
	(erf) = vrcp.f32 v35;
	v26 =	vmul.f32 v25, v25  }
0x13b: {  	v18 =	vadd.f32 $6.666666860e-01, v18;
	v16 =	vadd.s32 $0xFFFFFF81, v16;
	(erf) = vrcp.f32 v61  }
0x13c: {  	v15 =	vmul.f32 v32, v15;
	v23 =	vshra.s32 v23, $0x17;
	v62 =	vmul.f32 $2.857142980e-01, v26  }
0x13d: {  	v17 =	vmul.f32 v17, v27;
	v27 =	vmul.f32 v18, v29;
	v21 =	vadd.f32 $-1.000000000e+00, v20  }
0x13e: {  	v29 =	vadd.s32 $0xFFFFFF81, v23;
	v20 =	vadd.f32 $-1.000000000e+00, v33;
	v32 =	vadd.f32 $4.000000060e-01, v62  }
0x13f: {  	v18 =	vcvt.s32.f32 v19;
	v63 =	vadd.f32 $2.000000000e+00, v15;
	v23 =	vadd.f32 $2.000000000e+00, v17  }
0x140: {  	[tilespmem:v59+s30+$0x0] =	vst.idx.add.f32.msk $0xffff, v60;
	v17 =	vcvt.s32.f32 v16;
	v19 =	vadd.f32 $2.000000000e+00, v27;
	v27 =	vmul.f32 v32, v26  }
0x141: {  	s14 =	simm.s32 $0x80;
	s10 =	simm.s32 $0x4;
	s15 =	simm.s32 $0x184A0;
	[tilespmem:v59+s31+$0x0] =	vst.idx.add.f32.msk $0xffff, v2;
	v15 =	vor.u32 v1, v24;
	v16 =	vcvt.s32.f32 v29;
	v24 =	vmul.f32 v63, v28  }
.LBB2_5:
0x142: {  	v28 =	vmov s14;
	v29 =	vor.u32 s14, v1;
	s6 =	sadd.s32 $0x10, s14;
	s7 =	sadd.s32 $0x20, s14;
	s16 =	sadd.s32 $0x30, s14;
	v30 =	vld [tilespmem:s15+$0x10];
	v38 =	vadd.f32 $6.666666860e-01, v27;
	v31 =	vpop (erf)  }
0x143: {  	s10 =	sadd.s32 $0x4, s10;
	v32 =	vld [tilespmem:s15+$0xFFFFFFF0];
	v33 =	vmov s6;
	v34 =	vmov s16;
	v35 =	vor.u32 s16, v1;
	v36 =	vpop (erf)  }
0x144: {  	v14 =	vshra.s32 v14, $0x17;
	p1 =	slt.u32 s10, $0x3C;
	v37 =	vld [tilespmem:s15+$0x0];
	v34 =	vshll.u32 v34, $0x3;
	v26 =	vmul.f32 v38, v26;
	v27 =	vpop (erf)  }
0x145: {  	v14 =	vadd.s32 $0xFFFFFF81, v14;
	v35 =	vand.u32 $0x7F, v35;
	v38 =	vld [tilespmem:s15+$0xFFFFFFE0];
	v34 =	vand.u32 $0x1C00, v34  }
0x146: {  	v14 =	vcvt.s32.f32 v14;
	v34 =	vor.u32 v34, v35;
	v26 =	vadd.f32 $2.000000000e+00, v26  }
0x147: {  	v39 =	vor.u32 v1, v5;
	v35 =	vshll.u32 v30, $0xA;
	v5 =	vshll.u32 v30, $0x7  }
0x148: {  	v14 =	vmul.f32 $6.931471820e-01, v14;
	v30 =	vand.u32 $0xFFFFE000, v35;
	v25 =	vmul.f32 v26, v25  }
0x149: {  	v26 =	vmov s7;
	v35 =	vand.u32 $0x380, v5;
	v30 =	vor.u32 v30, v34  }
0x14a: {  	v33 =	vshll.u32 v33, $0x3;
	v30 =	vor.u32 v35, v30;
	v14 =	vadd.f32 v25, v14  }
0x14b: {  	v26 =	vshll.u32 v26, $0x3;
	v25 =	vshll.u32 v28, $0x3;
	v28 =	vor.u32 s6, v1  }
0x14c: {  	v40 =	vor.u32 s7, v1;
	v34 =	vshll.u32 v38, $0xA;
	v35 =	vshll.u32 v32, $0xA;
	[tilespmem:v39+s30+$0x0] =	vst.idx.add.f32.msk $0xffff, v14  }
0x14d: {  	v33 =	vand.u32 $0x1C00, v33;
	v41 =	vshll.u32 v37, $0xA;
	v26 =	vand.u32 $0x1C00, v26;
	[tilespmem:v39+s31+$0x0] =	vst.idx.add.f32.msk $0xffff, v2  }
0x14e: {  	v25 =	vand.u32 $0x1C00, v25;
	v28 =	vand.u32 $0x5F, v28;
	v39 =	vand.u32 $0x6F, v40  }
0x14f: {  	v29 =	vand.u32 $0x4F, v29;
	v34 =	vand.u32 $0xFFFFE000, v34;
	v35 =	vand.u32 $0xFFFFE000, v35;
	v14 =	vld.idx.msk [tilespmem:v30+s21+$0x0], $0xffff  }
0x150: {  	v32 =	vshll.u32 v32, $0x7;
	v30 =	vshll.u32 v38, $0x7;
	v38 =	vand.u32 $0xFFFFE000, v41  }
0x151: {  	v28 =	vor.u32 v33, v28;
	v33 =	vshll.u32 v37, $0x7;
	v26 =	vor.u32 v26, v39  }
0x152: {  	v25 =	vor.u32 v25, v29;
	v28 =	vor.u32 v35, v28;
	v26 =	vor.u32 v38, v26  }
0x153: {  	v25 =	vor.u32 v34, v25;
	v34 =	vand.u32 $0x380, v32;
	v29 =	vand.u32 $0x380, v30  }
0x154: {  	v28 =	vor.u32 v34, v28;
	v25 =	vor.u32 v29, v25;
	v29 =	vand.u32 $0x380, v33  }
0x155: {  	v31 =	vmul.f32 v31, v21;
	v26 =	vor.u32 v29, v26;
	v29 =	vand.u32 $0x7FFFFF, v14  }
0x156: {  	v22 =	vmul.f32 v36, v22;
	v20 =	vmul.f32 v27, v20;
	v21 =	vor.u32 $0x3F800000, v29  }
0x157: {  	v23 =	vmul.f32 v23, v10;
	v29 =	vmul.f32 v31, v31;
	v27 =	vadd.f32 $1.000000000e+00, v21  }
0x158: {  	v24 =	vadd.f32 v24, v13;
	v10 =	vmovc v22;
	v35 =	vmul.f32 v20, v20;
	v34 =	vmul.f32 v22, v22  }
0x159: {  	v23 =	vadd.f32 v23, v12;
	v13 =	vmul.f32 $2.857142980e-01, v29;
	v22 =	vld.idx.msk [tilespmem:v25+s21+$0x0], $0xffff;
	(erf) = vrcp.f32 v27  }
0x15a: {  	v12 =	vmul.f32 $2.857142980e-01, v34;
	v25 =	vor.u32 v1, v30;
	v27 =	vld.idx.msk [tilespmem:v28+s21+$0x0], $0xffff;
	v28 =	vmul.f32 $2.857142980e-01, v35  }
0x15b: {  	v30 =	vld.idx.msk [tilespmem:v26+s21+$0x0], $0xffff;
	v26 =	vadd.f32 $4.000000060e-01, v13;
	v13 =	vmul.f32 $6.931471820e-01, v18;
	v18 =	vmul.f32 v19, v9;
	v9 =	vmovc v20  }
0x15c: {  	v19 =	vadd.f32 $4.000000060e-01, v12;
	v12 =	vmul.f32 $6.931471820e-01, v17;
	v17 =	vadd.f32 $4.000000060e-01, v28;
	[tilespmem:v4+s30+$0x0] =	vst.idx.add.f32.msk $0xffff, v24  }
0x15d: {  	v20 =	vmul.f32 v26, v29;
	[tilespmem:v4+s31+$0x0] =	vst.idx.add.f32.msk $0xffff, v2;
	v18 =	vadd.f32 v18, v11;
	v11 =	vmul.f32 $6.931471820e-01, v16  }
0x15e: {  	v16 =	vor.u32 v1, v32;
	v19 =	vmul.f32 v19, v34;
	v4 =	vmovc v7;
	v17 =	vmul.f32 v17, v35  }
0x15f: {  	v7 =	vmovc v25;
	v24 =	vshra.s32 v22, $0x17;
	v22 =	vand.u32 $0x7FFFFF, v22;
	v28 =	vadd.f32 $6.666666860e-01, v20;
	[tilespmem:v3+s30+$0x0] =	vst.idx.add.f32.msk $0xffff, v23  }
0x160: {  	v20 =	vor.u32 $0x3F800000, v22;
	v36 =	vand.u32 $0x7FFFFF, v27;
	v19 =	vadd.f32 $6.666666860e-01, v19;
	[tilespmem:v3+s31+$0x0] =	vst.idx.add.f32.msk $0xffff, v2;
	v3 =	vmovc v8;
	v8 =	vmovc v16  }
0x161: {  	v23 =	vadd.f32 $-1.000000000e+00, v21;
	v16 =	vor.u32 $0x3F800000, v36;
	v25 =	vand.u32 $0x7FFFFF, v30;
	[tilespmem:v6+s30+$0x0] =	vst.idx.add.f32.msk $0xffff, v18  }
0x162: {  	v18 =	vadd.f32 $1.000000000e+00, v20;
	v32 =	vadd.f32 $1.000000000e+00, v16;
	v26 =	vor.u32 $0x3F800000, v25;
	v22 =	vpop (erf);
	[tilespmem:v6+s31+$0x0] =	vst.idx.add.f32.msk $0xffff, v2  }
0x163: {  	v21 =	vadd.f32 $-1.000000000e+00, v20;
	v36 =	vadd.f32 $1.000000000e+00, v26;
	v6 =	vmovc v15;
	v25 =	vmul.f32 v22, v23  }
0x164: {  	v20 =	vadd.f32 $-1.000000000e+00, v26;
	v22 =	vadd.f32 $-1.000000000e+00, v16;
	(erf) = vrcp.f32 v18  }
0x165: {  	v15 =	vadd.f32 $6.666666860e-01, v17;
	v26 =	vmul.f32 v25, v25;
	(erf) = vrcp.f32 v32  }
0x166: {  	v17 =	vmul.f32 v28, v29;
	v16 =	vshra.s32 v27, $0x17;
	(erf) = vrcp.f32 v36  }
0x167: {  	v19 =	vmul.f32 v19, v34;
	v18 =	vshra.s32 v30, $0x17;
	v23 =	vmul.f32 $2.857142980e-01, v26  }
.Ltmp1:
0x168: {  	v24 =	vadd.s32 $0xFFFFFF81, v24;
	v16 =	vadd.s32 $0xFFFFFF81, v16;
	v15 =	vmul.f32 v15, v35;
	(pc) =	sbr.rel @p1 .LBB2_5-.Ltmp1, $4  }
0x169: {  	v29 =	vadd.f32 $2.000000000e+00, v17;
	v28 =	vadd.s32 $0xFFFFFF81, v18;
	v27 =	vadd.f32 $4.000000060e-01, v23  }
0x16a: {  	v18 =	vcvt.s32.f32 v24;
	v23 =	vadd.f32 $2.000000000e+00, v19;
	v19 =	vadd.f32 $2.000000000e+00, v15  }
0x16b: {  	v17 =	vcvt.s32.f32 v16;
	v15 =	vor.u32 v1, v33;
	v27 =	vmul.f32 v27, v26  }
0x16c: {  	s14 =	sadd.s32 $0x40, s14;
	s15 =	sadd.s32 $0x40, s15;
	v16 =	vcvt.s32.f32 v28;
	v24 =	vmul.f32 v29, v31  }
0x16d: {  	v28 =	vpop (erf)  }
0x16e: {  	v21 =	vmul.f32 v28, v21  }
0x16f: {  	v27 =	vadd.f32 $6.666666860e-01, v27;
	v28 =	vpop (erf)  }
0x170: {  	v29 =	vpop (erf);
	v22 =	vmul.f32 v28, v22;
	v28 =	vmul.f32 v21, v21  }
0x171: {  	v14 =	vshra.s32 v14, $0x17;
	v26 =	vmul.f32 v27, v26;
	v20 =	vmul.f32 v29, v20  }
0x172: {  	v14 =	vadd.s32 $0xFFFFFF81, v14;
	v27 =	vmul.f32 v22, v22;
	v29 =	vmul.f32 $2.857142980e-01, v28  }
0x173: {  	v14 =	vcvt.s32.f32 v14;
	v26 =	vadd.f32 $2.000000000e+00, v26  }
0x174: {  	v30 =	vmul.f32 v20, v20;
	v31 =	vmul.f32 $2.857142980e-01, v27;
	v29 =	vadd.f32 $4.000000060e-01, v29  }
0x175: {  	v5 =	vor.u32 v1, v5;
	v14 =	vmul.f32 $6.931471820e-01, v14;
	v25 =	vmul.f32 v26, v25  }
0x176: {  	v26 =	vmul.f32 $2.857142980e-01, v30;
	v31 =	vadd.f32 $4.000000060e-01, v31;
	v29 =	vmul.f32 v29, v28  }
0x177: {  	v14 =	vadd.f32 v25, v14  }
0x178: {  	v25 =	vadd.f32 $4.000000060e-01, v26;
	v26 =	vmul.f32 v31, v27;
	v29 =	vadd.f32 $6.666666860e-01, v29  }
0x179: {  	v10 =	vmul.f32 v23, v10;
	v13 =	vadd.f32 v24, v13  }
0x17a: {  	[tilespmem:v5+s30+$0x0] =	vst.idx.add.f32.msk $0xffff, v14;
	v14 =	vmul.f32 v25, v30;
	v23 =	vadd.f32 $6.666666860e-01, v26;
	v24 =	vmul.f32 v29, v28  }
0x17b: {  	v9 =	vmul.f32 v19, v9;
	[tilespmem:v5+s31+$0x0] =	vst.idx.add.f32.msk $0xffff, v2;
	v5 =	vadd.f32 v10, v12  }
0x17c: {  	[tilespmem:v4+s30+$0x0] =	vst.idx.add.f32.msk $0xffff, v13;
	v10 =	vadd.f32 $6.666666860e-01, v14;
	v12 =	vmul.f32 v23, v27;
	v13 =	vadd.f32 $2.000000000e+00, v24  }
0x17d: {  	[tilespmem:v4+s31+$0x0] =	vst.idx.add.f32.msk $0xffff, v2;
	v4 =	vadd.f32 v9, v11;
	v14 =	vmul.f32 $6.931471820e-01, v18  }
0x17e: {  	[tilespmem:v3+s30+$0x0] =	vst.idx.add.f32.msk $0xffff, v5;
	v5 =	vmul.f32 v10, v30;
	v9 =	vadd.f32 $2.000000000e+00, v12;
	v10 =	vmul.f32 v13, v21  }
0x17f: {  	v11 =	vmul.f32 $6.931471820e-01, v17;
	[tilespmem:v6+s30+$0x0] =	vst.idx.add.f32.msk $0xffff, v4  }
0x180: {  	[tilespmem:v3+s31+$0x0] =	vst.idx.add.f32.msk $0xffff, v2;
	v3 =	vadd.f32 $2.000000000e+00, v5;
	v4 =	vmul.f32 v9, v22;
	v5 =	vadd.f32 v10, v14  }
0x181: {  	[tilespmem:v6+s31+$0x0] =	vst.idx.add.f32.msk $0xffff, v2  }
0x182: {  	v6 =	vmul.f32 $6.931471820e-01, v16;
	v3 =	vmul.f32 v3, v20;
	v4 =	vadd.f32 v4, v11;
	[tilespmem:v7+s30+$0x0] =	vst.idx.add.f32.msk $0xffff, v5  }
0x183: {  	[tilespmem:v7+s31+$0x0] =	vst.idx.add.f32.msk $0xffff, v2  }
0x184: {  	v3 =	vadd.f32 v3, v6;
	[tilespmem:v8+s30+$0x0] =	vst.idx.add.f32.msk $0xffff, v4  }
0x185: {  	[tilespmem:v8+s31+$0x0] =	vst.idx.add.f32.msk $0xffff, v2  }
0x186: {  	s6 =	sadd.s32 @!p0 s9, s12;
	s10 =	simm.s32 @!p0 $0x2000;
	s14 =	simm.s32 @!p0 $0x800000;
	[tilespmem:v15+s30+$0x0] =	vst.idx.add.f32.msk $0xffff, v3  }
0x187: {  	s15 =	simm.s32 @!p0 $0x6000;
	s7 =	sadd.s32 @!p0 s1, s6;
	s6 =	sshrl.u32 @!p0 s6, $0x3;
	[tilespmem:v15+s31+$0x0] =	vst.idx.add.f32.msk $0xffff, v2  }
0x188: {  	[tilespmem:s15], [sflag:$0x2] =	stream.strided.gather @!p0 [hbm4b:s7+s10], $0x6000, s14, s10, $0x38;
	[tilespmem:$0x1A800] =	vst v63  }
0x189: {  	s6 =	sadd.s32 @!p0 s3, s6;
	s7 =	simm.s32 @!p0 $0x0;
	s10 =	simm.s32 @!p0 $0x18400  }
0x18a: {  	[tilespmem:s10], [sflag:$0x6] =	stream.linear.gather @!p0 [hbm4b:s6+s7], $0x400, $0x38;
	[tilespmem:$0x1A800] =	vst v63  }
0x18b: {  	_ =	swait.ge [sflag:s20], $0x6000  }
0x18c: {  	[sflag:s20] =	ssyncset.done $0x0  }
0x18d: {  	[sflag:s20] =	ssyncadd.s32 $0xFFFFA000  }
0x18e: {  	_ =	swait.ge [sflag:s22], $0x400  }
0x18f: {  	[sflag:s22] =	ssyncset.done $0x0  }
0x190: {  	s15 =	simm.s32 $0x18820;
	[sflag:s22] =	ssyncadd.s32 $0xFFFFFC00  }
0x191: {  	v3 =	vld [tilespmem:s15+$0x10];
	_ =	sdelay $0x1  }
0x192: {  	s16 =	simm.s32 $0x30  }
0x193: {  	v4 =	vmov s16  }
0x194: {  	v5 =	vor.u32 s16, v1;
	v4 =	vshll.u32 v4, $0x3  }
0x195: {  	v5 =	vand.u32 $0x7F, v5;
	v4 =	vand.u32 $0x1C00, v4;
	v6 =	vshll.u32 v3, $0xA  }
0x196: {  	v4 =	vor.u32 v4, v5;
	v7 =	vshll.u32 v3, $0x7;
	v3 =	vand.u32 $0xFFFFE000, v6  }
0x197: {  	v5 =	vand.u32 $0x380, v7;
	v3 =	vor.u32 v3, v4  }
0x198: {  	v3 =	vor.u32 v5, v3;
	_ =	sdelay $0x4  }
0x199: {  	s10 =	simm.s32 $0x0;
	v12 =	vld.idx.msk [tilespmem:v3+s23+$0x0], $0xffff  }
0x19a: {  	s14 =	simm.s32 $0x10;
	v8 =	vmov s10;
	v6 =	vld [tilespmem:s15+$0x0]  }
0x19b: {  	v10 =	vmov s14;
	v9 =	vor.u32 s10, v1;
	v8 =	vshll.u32 v8, $0x3;
	v4 =	vld [tilespmem:s15+$0xFFFFFFE0]  }
0x19c: {  	v10 =	vshll.u32 v10, $0x3;
	v9 =	vand.u32 $0x4F, v9;
	v8 =	vand.u32 $0x1C00, v8;
	v5 =	vld [tilespmem:s15+$0xFFFFFFF0];
	s15 =	simm.s32 $0x20  }
0x19d: {  	v10 =	vand.u32 $0x1C00, v10;
	v8 =	vor.u32 v8, v9;
	v11 =	vmov s15  }
0x19e: {  	v15 =	vor.u32 s15, v1;
	v3 =	vor.u32 s14, v1;
	v17 =	vand.u32 $0x7FFFFF, v12  }
0x19f: {  	v11 =	vshll.u32 v11, $0x3;
	v3 =	vand.u32 $0x5F, v3;
	v17 =	vor.u32 $0x3F800000, v17  }
0x1a0: {  	v15 =	vand.u32 $0x6F, v15;
	v3 =	vor.u32 v10, v3;
	v10 =	vadd.f32 $1.000000000e+00, v17  }
0x1a1: {  	v13 =	vshll.u32 v4, $0xA;
	v4 =	vshll.u32 v4, $0x7;
	v14 =	vshll.u32 v5, $0xA  }
0x1a2: {  	v13 =	vand.u32 $0xFFFFE000, v13;
	v5 =	vshll.u32 v5, $0x7;
	(erf) = vrcp.f32 v10  }
0x1a3: {  	s16 =	simm.s32 $0x18860;
	v9 =	vand.u32 $0x380, v4;
	v14 =	vand.u32 $0xFFFFE000, v14;
	v8 =	vor.u32 v13, v8  }
0x1a4: {  	v22 =	vld [tilespmem:s16+$0xFFFFFFF0];
	v8 =	vor.u32 v9, v8;
	v3 =	vor.u32 v14, v3;
	v10 =	vand.u32 $0x380, v5  }
0x1a5: {  	v24 =	vld [tilespmem:s16+$0x0];
	v16 =	vshll.u32 v6, $0xA;
	v11 =	vand.u32 $0x1C00, v11;
	v3 =	vor.u32 v10, v3  }
0x1a6: {  	v6 =	vshll.u32 v6, $0x7;
	v16 =	vand.u32 $0xFFFFE000, v16;
	v11 =	vor.u32 v11, v15  }
0x1a7: {  	v9 =	vor.u32 v16, v11;
	v10 =	vand.u32 $0x380, v6  }
0x1a8: {  	v9 =	vor.u32 v10, v9  }
0x1a9: {  	v8 =	vld.idx.msk [tilespmem:v8+s23+$0x0], $0xffff  }
0x1aa: {  	v26 =	vshll.u32 v22, $0xA;
	v28 =	vshll.u32 v24, $0xA;
	v10 =	vld.idx.msk [tilespmem:v3+s23+$0x0], $0xffff;
	v3 =	vadd.f32 $-1.000000000e+00, v17  }
0x1ab: {  	v22 =	vshll.u32 v22, $0x7;
	v24 =	vshll.u32 v24, $0x7;
	v59 =	vor.u32 v1, v7;
	s15 =	simm.s32 $0x50;
	s14 =	simm.s32 $0x70;
	v11 =	vpop (erf)  }
0x1ac: {  	v23 =	vmov s15;
	v20 =	vmov s14;
	v11 =	vmul.f32 v11, v3  }
0x1ad: {  	v21 =	vor.u32 s14, v1;
	v20 =	vshll.u32 v20, $0x3;
	v9 =	vld.idx.msk [tilespmem:v9+s23+$0x0], $0xffff;
	v3 =	vor.u32 v1, v5  }
0x1ae: {  	v5 =	vshra.s32 v8, $0x17;
	v8 =	vand.u32 $0x7FFFFF, v8;
	v14 =	vmul.f32 v11, v11  }
0x1af: {  	v20 =	vand.u32 $0x1C00, v20;
	v12 =	vshra.s32 v12, $0x17;
	v8 =	vor.u32 $0x3F800000, v8  }
0x1b0: {  	v13 =	vand.u32 $0x7FFFFF, v10;
	v16 =	vadd.f32 $1.000000000e+00, v8;
	v18 =	vmul.f32 $2.857142980e-01, v14  }
0x1b1: {  	v12 =	vadd.s32 $0xFFFFFF81, v12;
	v10 =	vshra.s32 v10, $0x17;
	v13 =	vor.u32 $0x3F800000, v13  }
0x1b2: {  	v15 =	vand.u32 $0x7FFFFF, v9;
	(erf) = vrcp.f32 v16;
	v16 =	vadd.f32 $4.000000060e-01, v18  }
0x1b3: {  	v5 =	vadd.s32 $0xFFFFFF81, v5;
	v17 =	vadd.f32 $1.000000000e+00, v13;
	v15 =	vor.u32 $0x3F800000, v15  }
0x1b4: {  	v19 =	vadd.f32 $1.000000000e+00, v15;
	v18 =	vcvt.s32.f32 v5;
	v5 =	vld [tilespmem:s16+$0x10];
	v16 =	vmul.f32 v16, v14  }
0x1b5: {  	v12 =	vcvt.s32.f32 v12;
	v10 =	vadd.s32 $0xFFFFFF81, v10;
	(erf) = vrcp.f32 v17  }
0x1b6: {  	(erf) = vrcp.f32 v19;
	v19 =	vcvt.s32.f32 v10;
	v10 =	vadd.f32 $6.666666860e-01, v16  }
0x1b7: {  	v12 =	vmul.f32 $6.931471820e-01, v12;
	v8 =	vadd.f32 $-1.000000000e+00, v8;
	v9 =	vshra.s32 v9, $0x17  }
0x1b8: {  	s10 =	simm.s32 $0x40;
	v17 =	vadd.s32 $0xFFFFFF81, v9;
	v10 =	vmul.f32 v10, v14;
	v14 =	vand.u32 $0x7F, v21  }
0x1b9: {  	v9 =	vmov s10;
	v14 =	vor.u32 v20, v14;
	v20 =	vshll.u32 v5, $0xA  }
0x1ba: {  	v5 =	vshll.u32 v5, $0x7;
	v10 =	vadd.f32 $2.000000000e+00, v10;
	v20 =	vand.u32 $0xFFFFE000, v20  }
0x1bb: {  	v9 =	vshll.u32 v9, $0x3;
	v21 =	vld [tilespmem:s16+$0xFFFFFFE0];
	v25 =	vand.u32 $0x380, v5;
	v14 =	vor.u32 v20, v14  }
0x1bc: {  	v16 =	vor.u32 s10, v1;
	v11 =	vmul.f32 v10, v11;
	v10 =	vor.u32 v25, v14  }
0x1bd: {  	v13 =	vadd.f32 $-1.000000000e+00, v13;
	v9 =	vand.u32 $0x1C00, v9;
	v16 =	vand.u32 $0x4F, v16;
	s16 =	simm.s32 $0x60  }
0x1be: {  	v9 =	vor.u32 v9, v16;
	v27 =	vor.u32 s16, v1;
	v20 =	vshll.u32 v23, $0x3  }
0x1bf: {  	v23 =	vor.u32 s15, v1;
	v14 =	vmov s16;
	v20 =	vand.u32 $0x1C00, v20  }
0x1c0: {  	v23 =	vand.u32 $0x5F, v23;
	v14 =	vshll.u32 v14, $0x3;
	v25 =	vshll.u32 v21, $0xA  }
0x1c1: {  	v29 =	vand.u32 $0x1C00, v14;
	v14 =	vld.idx.msk [tilespmem:v10+s23+$0x0], $0xffff;
	v10 =	vand.u32 $0xFFFFE000, v25;
	v25 =	vand.u32 $0xFFFFE000, v26  }
0x1c2: {  	v27 =	vand.u32 $0x6F, v27;
	v21 =	vshll.u32 v21, $0x7;
	v20 =	vor.u32 v20, v23  }
0x1c3: {  	v23 =	vor.u32 v29, v27;
	v26 =	vand.u32 $0xFFFFE000, v28;
	v16 =	vor.u32 v25, v20  }
0x1c4: {  	v20 =	vor.u32 v26, v23;
	v23 =	vand.u32 $0x380, v21;
	v9 =	vor.u32 v10, v9;
	v25 =	vpop (erf)  }
0x1c5: {  	v15 =	vadd.f32 $-1.000000000e+00, v15;
	v10 =	vand.u32 $0x380, v22;
	v23 =	vor.u32 v23, v9;
	v27 =	vpop (erf)  }
0x1c6: {  	v16 =	vor.u32 v10, v16;
	v28 =	vmul.f32 v25, v8;
	v26 =	vand.u32 $0x7FFFFF, v14;
	v8 =	vpop (erf)  }
0x1c7: {  	v10 =	vmul.f32 v27, v13;
	v25 =	vor.u32 $0x3F800000, v26;
	v9 =	vmul.f32 v8, v15  }
0x1c8: {  	v26 =	vand.u32 $0x380, v24;
	v15 =	vmul.f32 v28, v28;
	v13 =	vadd.f32 $1.000000000e+00, v25  }
0x1c9: {  	v8 =	vor.u32 v26, v20;
	v27 =	vmul.f32 v10, v10;
	v29 =	vmul.f32 v9, v9  }
0x1ca: {  	v4 =	vor.u32 v1, v4;
	(erf) = vrcp.f32 v13;
	v13 =	vmul.f32 $2.857142980e-01, v15  }
0x1cb: {  	v6 =	vor.u32 v1, v6;
	v17 =	vcvt.s32.f32 v17;
	v60 =	vadd.f32 v11, v12;
	v16 =	vld.idx.msk [tilespmem:v16+s23+$0x0], $0xffff  }
0x1cc: {  	v20 =	vld.idx.msk [tilespmem:v23+s23+$0x0], $0xffff;
	v23 =	vmul.f32 $2.857142980e-01, v27;
	v11 =	vmul.f32 $2.857142980e-01, v29;
	v26 =	vadd.f32 $4.000000060e-01, v13  }
0x1cd: {  	v7 =	vor.u32 v1, v21;
	v12 =	vmul.f32 $6.931471820e-01, v19;
	v13 =	vmul.f32 $6.931471820e-01, v18  }
0x1ce: {  	v18 =	vadd.f32 $4.000000060e-01, v23;
	v23 =	vld.idx.msk [tilespmem:v8+s23+$0x0], $0xffff;
	v19 =	vadd.f32 $4.000000060e-01, v11;
	v21 =	vmul.f32 v26, v15  }
0x1cf: {  	v11 =	vmul.f32 $6.931471820e-01, v17;
	v8 =	vor.u32 v1, v22;
	v22 =	vadd.f32 $-1.000000000e+00, v25  }
0x1d0: {  	v17 =	vmul.f32 v18, v27;
	v32 =	vadd.f32 $6.666666860e-01, v21;
	v21 =	vand.u32 $0x7FFFFF, v16  }
0x1d1: {  	v18 =	vmul.f32 v19, v29;
	v19 =	vshra.s32 v20, $0x17;
	v20 =	vand.u32 $0x7FFFFF, v20  }
0x1d2: {  	v20 =	vor.u32 $0x3F800000, v20;
	v17 =	vadd.f32 $6.666666860e-01, v17;
	v16 =	vshra.s32 v16, $0x17  }
0x1d3: {  	v26 =	vor.u32 $0x3F800000, v21;
	v34 =	vadd.f32 $1.000000000e+00, v20;
	v33 =	vand.u32 $0x7FFFFF, v23;
	v21 =	vpop (erf)  }
0x1d4: {  	v35 =	vadd.f32 $1.000000000e+00, v26;
	v33 =	vor.u32 $0x3F800000, v33;
	v25 =	vmul.f32 v21, v22  }
0x1d5: {  	v19 =	vadd.s32 $0xFFFFFF81, v19;
	(erf) = vrcp.f32 v34;
	v61 =	vadd.f32 $1.000000000e+00, v33  }
0x1d6: {  	v22 =	vadd.f32 $-1.000000000e+00, v26;
	(erf) = vrcp.f32 v35;
	v26 =	vmul.f32 v25, v25  }
0x1d7: {  	v18 =	vadd.f32 $6.666666860e-01, v18;
	v16 =	vadd.s32 $0xFFFFFF81, v16;
	(erf) = vrcp.f32 v61  }
0x1d8: {  	v15 =	vmul.f32 v32, v15;
	v23 =	vshra.s32 v23, $0x17;
	v62 =	vmul.f32 $2.857142980e-01, v26  }
0x1d9: {  	v17 =	vmul.f32 v17, v27;
	v27 =	vmul.f32 v18, v29;
	v21 =	vadd.f32 $-1.000000000e+00, v20  }
0x1da: {  	v29 =	vadd.s32 $0xFFFFFF81, v23;
	v20 =	vadd.f32 $-1.000000000e+00, v33;
	v32 =	vadd.f32 $4.000000060e-01, v62  }
0x1db: {  	v18 =	vcvt.s32.f32 v19;
	v63 =	vadd.f32 $2.000000000e+00, v15;
	v23 =	vadd.f32 $2.000000000e+00, v17  }
0x1dc: {  	[tilespmem:v59+s30+$0x0] =	vst.idx.add.f32.msk $0xffff, v60;
	v17 =	vcvt.s32.f32 v16;
	v19 =	vadd.f32 $2.000000000e+00, v27;
	v27 =	vmul.f32 v32, v26  }
0x1dd: {  	s14 =	simm.s32 $0x80;
	s10 =	simm.s32 $0x4;
	s15 =	simm.s32 $0x188A0;
	[tilespmem:v59+s31+$0x0] =	vst.idx.add.f32.msk $0xffff, v2;
	v15 =	vor.u32 v1, v24;
	v16 =	vcvt.s32.f32 v29;
	v24 =	vmul.f32 v63, v28  }
.LBB2_7:
0x1de: {  	v28 =	vmov s14;
	v29 =	vor.u32 s14, v1;
	s6 =	sadd.s32 $0x10, s14;
	s7 =	sadd.s32 $0x20, s14;
	s16 =	sadd.s32 $0x30, s14;
	v30 =	vld [tilespmem:s15+$0x10];
	v38 =	vadd.f32 $6.666666860e-01, v27;
	v31 =	vpop (erf)  }
0x1df: {  	s10 =	sadd.s32 $0x4, s10;
	v32 =	vld [tilespmem:s15+$0xFFFFFFF0];
	v33 =	vmov s6;
	v34 =	vmov s16;
	v35 =	vor.u32 s16, v1;
	v36 =	vpop (erf)  }
0x1e0: {  	v14 =	vshra.s32 v14, $0x17;
	p1 =	slt.u32 s10, $0x3C;
	v37 =	vld [tilespmem:s15+$0x0];
	v34 =	vshll.u32 v34, $0x3;
	v26 =	vmul.f32 v38, v26;
	v27 =	vpop (erf)  }
0x1e1: {  	v14 =	vadd.s32 $0xFFFFFF81, v14;
	v35 =	vand.u32 $0x7F, v35;
	v38 =	vld [tilespmem:s15+$0xFFFFFFE0];
	v34 =	vand.u32 $0x1C00, v34  }
0x1e2: {  	v14 =	vcvt.s32.f32 v14;
	v34 =	vor.u32 v34, v35;
	v26 =	vadd.f32 $2.000000000e+00, v26  }
0x1e3: {  	v39 =	vor.u32 v1, v5;
	v35 =	vshll.u32 v30, $0xA;
	v5 =	vshll.u32 v30, $0x7  }
0x1e4: {  	v14 =	vmul.f32 $6.931471820e-01, v14;
	v30 =	vand.u32 $0xFFFFE000, v35;
	v25 =	vmul.f32 v26, v25  }
0x1e5: {  	v26 =	vmov s7;
	v35 =	vand.u32 $0x380, v5;
	v30 =	vor.u32 v30, v34  }
0x1e6: {  	v33 =	vshll.u32 v33, $0x3;
	v30 =	vor.u32 v35, v30;
	v14 =	vadd.f32 v25, v14  }
0x1e7: {  	v26 =	vshll.u32 v26, $0x3;
	v25 =	vshll.u32 v28, $0x3;
	v28 =	vor.u32 s6, v1  }
0x1e8: {  	v40 =	vor.u32 s7, v1;
	v34 =	vshll.u32 v38, $0xA;
	v35 =	vshll.u32 v32, $0xA;
	[tilespmem:v39+s30+$0x0] =	vst.idx.add.f32.msk $0xffff, v14  }
0x1e9: {  	v33 =	vand.u32 $0x1C00, v33;
	v41 =	vshll.u32 v37, $0xA;
	v26 =	vand.u32 $0x1C00, v26;
	[tilespmem:v39+s31+$0x0] =	vst.idx.add.f32.msk $0xffff, v2  }
0x1ea: {  	v25 =	vand.u32 $0x1C00, v25;
	v28 =	vand.u32 $0x5F, v28;
	v39 =	vand.u32 $0x6F, v40  }
0x1eb: {  	v29 =	vand.u32 $0x4F, v29;
	v34 =	vand.u32 $0xFFFFE000, v34;
	v35 =	vand.u32 $0xFFFFE000, v35;
	v14 =	vld.idx.msk [tilespmem:v30+s23+$0x0], $0xffff  }
0x1ec: {  	v32 =	vshll.u32 v32, $0x7;
	v30 =	vshll.u32 v38, $0x7;
	v38 =	vand.u32 $0xFFFFE000, v41  }
0x1ed: {  	v28 =	vor.u32 v33, v28;
	v33 =	vshll.u32 v37, $0x7;
	v26 =	vor.u32 v26, v39  }
0x1ee: {  	v25 =	vor.u32 v25, v29;
	v28 =	vor.u32 v35, v28;
	v26 =	vor.u32 v38, v26  }
0x1ef: {  	v25 =	vor.u32 v34, v25;
	v34 =	vand.u32 $0x380, v32;
	v29 =	vand.u32 $0x380, v30  }
0x1f0: {  	v28 =	vor.u32 v34, v28;
	v25 =	vor.u32 v29, v25;
	v29 =	vand.u32 $0x380, v33  }
0x1f1: {  	v31 =	vmul.f32 v31, v21;
	v26 =	vor.u32 v29, v26;
	v29 =	vand.u32 $0x7FFFFF, v14  }
0x1f2: {  	v22 =	vmul.f32 v36, v22;
	v20 =	vmul.f32 v27, v20;
	v21 =	vor.u32 $0x3F800000, v29  }
0x1f3: {  	v23 =	vmul.f32 v23, v10;
	v29 =	vmul.f32 v31, v31;
	v27 =	vadd.f32 $1.000000000e+00, v21  }
0x1f4: {  	v24 =	vadd.f32 v24, v13;
	v10 =	vmovc v22;
	v35 =	vmul.f32 v20, v20;
	v34 =	vmul.f32 v22, v22  }
0x1f5: {  	v23 =	vadd.f32 v23, v12;
	v13 =	vmul.f32 $2.857142980e-01, v29;
	v22 =	vld.idx.msk [tilespmem:v25+s23+$0x0], $0xffff;
	(erf) = vrcp.f32 v27  }
0x1f6: {  	v12 =	vmul.f32 $2.857142980e-01, v34;
	v25 =	vor.u32 v1, v30;
	v27 =	vld.idx.msk [tilespmem:v28+s23+$0x0], $0xffff;
	v28 =	vmul.f32 $2.857142980e-01, v35  }
0x1f7: {  	v30 =	vld.idx.msk [tilespmem:v26+s23+$0x0], $0xffff;
	v26 =	vadd.f32 $4.000000060e-01, v13;
	v13 =	vmul.f32 $6.931471820e-01, v18;
	v18 =	vmul.f32 v19, v9;
	v9 =	vmovc v20  }
0x1f8: {  	v19 =	vadd.f32 $4.000000060e-01, v12;
	v12 =	vmul.f32 $6.931471820e-01, v17;
	v17 =	vadd.f32 $4.000000060e-01, v28;
	[tilespmem:v4+s30+$0x0] =	vst.idx.add.f32.msk $0xffff, v24  }
0x1f9: {  	v20 =	vmul.f32 v26, v29;
	[tilespmem:v4+s31+$0x0] =	vst.idx.add.f32.msk $0xffff, v2;
	v18 =	vadd.f32 v18, v11;
	v11 =	vmul.f32 $6.931471820e-01, v16  }
0x1fa: {  	v16 =	vor.u32 v1, v32;
	v19 =	vmul.f32 v19, v34;
	v4 =	vmovc v7;
	v17 =	vmul.f32 v17, v35  }
0x1fb: {  	v7 =	vmovc v25;
	v24 =	vshra.s32 v22, $0x17;
	v22 =	vand.u32 $0x7FFFFF, v22;
	v28 =	vadd.f32 $6.666666860e-01, v20;
	[tilespmem:v3+s30+$0x0] =	vst.idx.add.f32.msk $0xffff, v23  }
0x1fc: {  	v20 =	vor.u32 $0x3F800000, v22;
	v36 =	vand.u32 $0x7FFFFF, v27;
	v19 =	vadd.f32 $6.666666860e-01, v19;
	[tilespmem:v3+s31+$0x0] =	vst.idx.add.f32.msk $0xffff, v2;
	v3 =	vmovc v8;
	v8 =	vmovc v16  }
0x1fd: {  	v23 =	vadd.f32 $-1.000000000e+00, v21;
	v16 =	vor.u32 $0x3F800000, v36;
	v25 =	vand.u32 $0x7FFFFF, v30;
	[tilespmem:v6+s30+$0x0] =	vst.idx.add.f32.msk $0xffff, v18  }
0x1fe: {  	v18 =	vadd.f32 $1.000000000e+00, v20;
	v32 =	vadd.f32 $1.000000000e+00, v16;
	v26 =	vor.u32 $0x3F800000, v25;
	v22 =	vpop (erf);
	[tilespmem:v6+s31+$0x0] =	vst.idx.add.f32.msk $0xffff, v2  }
0x1ff: {  	v21 =	vadd.f32 $-1.000000000e+00, v20;
	v36 =	vadd.f32 $1.000000000e+00, v26;
	v6 =	vmovc v15;
	v25 =	vmul.f32 v22, v23  }
0x200: {  	v20 =	vadd.f32 $-1.000000000e+00, v26;
	v22 =	vadd.f32 $-1.000000000e+00, v16;
	(erf) = vrcp.f32 v18  }
0x201: {  	v15 =	vadd.f32 $6.666666860e-01, v17;
	v26 =	vmul.f32 v25, v25;
	(erf) = vrcp.f32 v32  }
0x202: {  	v17 =	vmul.f32 v28, v29;
	v16 =	vshra.s32 v27, $0x17;
	(erf) = vrcp.f32 v36  }
0x203: {  	v19 =	vmul.f32 v19, v34;
	v18 =	vshra.s32 v30, $0x17;
	v23 =	vmul.f32 $2.857142980e-01, v26  }
.Ltmp2:
0x204: {  	v24 =	vadd.s32 $0xFFFFFF81, v24;
	v16 =	vadd.s32 $0xFFFFFF81, v16;
	v15 =	vmul.f32 v15, v35;
	(pc) =	sbr.rel @p1 .LBB2_7-.Ltmp2, $4  }
0x205: {  	v29 =	vadd.f32 $2.000000000e+00, v17;
	v28 =	vadd.s32 $0xFFFFFF81, v18;
	v27 =	vadd.f32 $4.000000060e-01, v23  }
0x206: {  	v18 =	vcvt.s32.f32 v24;
	v23 =	vadd.f32 $2.000000000e+00, v19;
	v19 =	vadd.f32 $2.000000000e+00, v15  }
0x207: {  	v17 =	vcvt.s32.f32 v16;
	v15 =	vor.u32 v1, v33;
	v27 =	vmul.f32 v27, v26  }
0x208: {  	s14 =	sadd.s32 $0x40, s14;
	s15 =	sadd.s32 $0x40, s15;
	v16 =	vcvt.s32.f32 v28;
	v24 =	vmul.f32 v29, v31  }
0x209: {  	v28 =	vpop (erf)  }
0x20a: {  	v21 =	vmul.f32 v28, v21  }
0x20b: {  	v27 =	vadd.f32 $6.666666860e-01, v27;
	v28 =	vpop (erf)  }
0x20c: {  	v29 =	vpop (erf);
	v22 =	vmul.f32 v28, v22;
	v28 =	vmul.f32 v21, v21  }
0x20d: {  	v14 =	vshra.s32 v14, $0x17;
	v26 =	vmul.f32 v27, v26;
	v20 =	vmul.f32 v29, v20  }
0x20e: {  	v14 =	vadd.s32 $0xFFFFFF81, v14;
	v27 =	vmul.f32 v22, v22;
	v29 =	vmul.f32 $2.857142980e-01, v28  }
0x20f: {  	v14 =	vcvt.s32.f32 v14;
	v26 =	vadd.f32 $2.000000000e+00, v26  }
0x210: {  	v30 =	vmul.f32 v20, v20;
	v31 =	vmul.f32 $2.857142980e-01, v27;
	v29 =	vadd.f32 $4.000000060e-01, v29  }
0x211: {  	v5 =	vor.u32 v1, v5;
	v14 =	vmul.f32 $6.931471820e-01, v14;
	v25 =	vmul.f32 v26, v25  }
0x212: {  	v26 =	vmul.f32 $2.857142980e-01, v30;
	v31 =	vadd.f32 $4.000000060e-01, v31;
	v29 =	vmul.f32 v29, v28  }
0x213: {  	v14 =	vadd.f32 v25, v14  }
0x214: {  	v25 =	vadd.f32 $4.000000060e-01, v26;
	v26 =	vmul.f32 v31, v27;
	v29 =	vadd.f32 $6.666666860e-01, v29  }
0x215: {  	v10 =	vmul.f32 v23, v10;
	v13 =	vadd.f32 v24, v13  }
0x216: {  	[tilespmem:v5+s30+$0x0] =	vst.idx.add.f32.msk $0xffff, v14;
	v14 =	vmul.f32 v25, v30;
	v23 =	vadd.f32 $6.666666860e-01, v26;
	v24 =	vmul.f32 v29, v28  }
0x217: {  	v9 =	vmul.f32 v19, v9;
	[tilespmem:v5+s31+$0x0] =	vst.idx.add.f32.msk $0xffff, v2;
	v5 =	vadd.f32 v10, v12  }
0x218: {  	[tilespmem:v4+s30+$0x0] =	vst.idx.add.f32.msk $0xffff, v13;
	v10 =	vadd.f32 $6.666666860e-01, v14;
	v12 =	vmul.f32 v23, v27;
	v13 =	vadd.f32 $2.000000000e+00, v24  }
0x219: {  	[tilespmem:v4+s31+$0x0] =	vst.idx.add.f32.msk $0xffff, v2;
	v4 =	vadd.f32 v9, v11;
	v14 =	vmul.f32 $6.931471820e-01, v18  }
0x21a: {  	[tilespmem:v3+s30+$0x0] =	vst.idx.add.f32.msk $0xffff, v5;
	v5 =	vmul.f32 v10, v30;
	v9 =	vadd.f32 $2.000000000e+00, v12;
	v10 =	vmul.f32 v13, v21  }
0x21b: {  	v11 =	vmul.f32 $6.931471820e-01, v17;
	[tilespmem:v6+s30+$0x0] =	vst.idx.add.f32.msk $0xffff, v4  }
0x21c: {  	[tilespmem:v3+s31+$0x0] =	vst.idx.add.f32.msk $0xffff, v2;
	v3 =	vadd.f32 $2.000000000e+00, v5;
	v4 =	vmul.f32 v9, v22;
	v5 =	vadd.f32 v10, v14  }
0x21d: {  	[tilespmem:v6+s31+$0x0] =	vst.idx.add.f32.msk $0xffff, v2  }
0x21e: {  	v6 =	vmul.f32 $6.931471820e-01, v16;
	v3 =	vmul.f32 v3, v20;
	v4 =	vadd.f32 v4, v11;
	[tilespmem:v7+s30+$0x0] =	vst.idx.add.f32.msk $0xffff, v5  }
0x21f: {  	[tilespmem:v7+s31+$0x0] =	vst.idx.add.f32.msk $0xffff, v2  }
0x220: {  	v3 =	vadd.f32 v3, v6;
	[tilespmem:v8+s30+$0x0] =	vst.idx.add.f32.msk $0xffff, v4  }
0x221: {  	[tilespmem:v8+s31+$0x0] =	vst.idx.add.f32.msk $0xffff, v2  }
0x222: {  	s6 =	sadd.s32 @!p0 s9, s13;
	s9 =	simm.s32 @!p0 $0x2000;
	s10 =	simm.s32 @!p0 $0x800000;
	[tilespmem:v15+s30+$0x0] =	vst.idx.add.f32.msk $0xffff, v3  }
0x223: {  	s14 =	simm.s32 @!p0 $0xC000;
	s7 =	sadd.s32 @!p0 s1, s6;
	s6 =	sshrl.u32 @!p0 s6, $0x3;
	[tilespmem:v15+s31+$0x0] =	vst.idx.add.f32.msk $0xffff, v2  }
0x224: {  	[tilespmem:s14], [sflag:$0x3] =	stream.strided.gather @!p0 [hbm4b:s7+s9], $0x6000, s10, s9, $0x38;
	[tilespmem:$0x1A800] =	vst v63  }
0x225: {  	s6 =	sadd.s32 @!p0 s3, s6;
	s7 =	simm.s32 @!p0 $0x0;
	s9 =	simm.s32 @!p0 $0x18800  }
0x226: {  	[tilespmem:s9], [sflag:$0x7] =	stream.linear.gather @!p0 [hbm4b:s6+s7], $0x400, $0x38;
	[tilespmem:$0x1A800] =	vst v63  }
0x227: {  	_ =	swait.ge [sflag:s24], $0x6000  }
0x228: {  	[sflag:s24] =	ssyncset.done $0x0  }
0x229: {  	[sflag:s24] =	ssyncadd.s32 $0xFFFFA000  }
0x22a: {  	_ =	swait.ge [sflag:s5], $0x400  }
0x22b: {  	[sflag:s5] =	ssyncset.done $0x0  }
0x22c: {  	s16 =	simm.s32 $0x18C20;
	[sflag:s5] =	ssyncadd.s32 $0xFFFFFC00  }
0x22d: {  	v3 =	vld [tilespmem:s16+$0x10];
	_ =	sdelay $0x1  }
0x22e: {  	s9 =	simm.s32 $0x30  }
0x22f: {  	v4 =	vmov s9  }
0x230: {  	v5 =	vor.u32 s9, v1;
	v4 =	vshll.u32 v4, $0x3  }
0x231: {  	v5 =	vand.u32 $0x7F, v5;
	v4 =	vand.u32 $0x1C00, v4;
	v6 =	vshll.u32 v3, $0xA  }
0x232: {  	v4 =	vor.u32 v4, v5;
	v7 =	vshll.u32 v3, $0x7;
	v3 =	vand.u32 $0xFFFFE000, v6  }
0x233: {  	v5 =	vand.u32 $0x380, v7;
	v3 =	vor.u32 v3, v4  }
0x234: {  	v3 =	vor.u32 v5, v3;
	_ =	sdelay $0x3  }
0x235: {  	s15 =	simm.s32 $0x20  }
0x236: {  	v11 =	vmov s15;
	v12 =	vld.idx.msk [tilespmem:v3+s25+$0x0], $0xffff  }
0x237: {  	v11 =	vshll.u32 v11, $0x3  }
0x238: {  	v11 =	vand.u32 $0x1C00, v11;
	v15 =	vor.u32 s15, v1;
	s10 =	simm.s32 $0x0;
	s14 =	simm.s32 $0x10;
	v4 =	vld [tilespmem:s16+$0xFFFFFFE0]  }
0x239: {  	v8 =	vmov s10;
	v9 =	vor.u32 s10, v1;
	v10 =	vmov s14;
	v5 =	vld [tilespmem:s16+$0xFFFFFFF0]  }
0x23a: {  	v10 =	vshll.u32 v10, $0x3;
	v8 =	vshll.u32 v8, $0x3;
	v9 =	vand.u32 $0x4F, v9  }
0x23b: {  	v10 =	vand.u32 $0x1C00, v10;
	v3 =	vor.u32 s14, v1;
	v17 =	vand.u32 $0x7FFFFF, v12  }
0x23c: {  	v8 =	vand.u32 $0x1C00, v8;
	v3 =	vand.u32 $0x5F, v3;
	v17 =	vor.u32 $0x3F800000, v17  }
0x23d: {  	v8 =	vor.u32 v8, v9;
	v6 =	vld [tilespmem:s16+$0x0];
	v3 =	vor.u32 v10, v3;
	v10 =	vadd.f32 $1.000000000e+00, v17  }
0x23e: {  	v13 =	vshll.u32 v4, $0xA;
	v4 =	vshll.u32 v4, $0x7;
	v14 =	vshll.u32 v5, $0xA  }
0x23f: {  	v13 =	vand.u32 $0xFFFFE000, v13;
	v5 =	vshll.u32 v5, $0x7;
	(erf) = vrcp.f32 v10  }
0x240: {  	v9 =	vand.u32 $0x380, v4;
	v14 =	vand.u32 $0xFFFFE000, v14;
	v8 =	vor.u32 v13, v8  }
0x241: {  	v8 =	vor.u32 v9, v8;
	v3 =	vor.u32 v14, v3;
	v10 =	vand.u32 $0x380, v5  }
0x242: {  	v15 =	vand.u32 $0x6F, v15;
	s16 =	simm.s32 $0x18C60;
	v16 =	vshll.u32 v6, $0xA;
	v3 =	vor.u32 v10, v3  }
0x243: {  	v11 =	vor.u32 v11, v15;
	v22 =	vld [tilespmem:s16+$0xFFFFFFF0];
	v6 =	vshll.u32 v6, $0x7;
	v16 =	vand.u32 $0xFFFFE000, v16  }
0x244: {  	v24 =	vld [tilespmem:s16+$0x0];
	v9 =	vor.u32 v16, v11;
	v10 =	vand.u32 $0x380, v6  }
0x245: {  	v9 =	vor.u32 v10, v9  }
0x246: {  	s15 =	simm.s32 $0x50;
	v8 =	vld.idx.msk [tilespmem:v8+s25+$0x0], $0xffff  }
0x247: {  	v23 =	vmov s15;
	v59 =	vor.u32 v1, v7;
	s14 =	simm.s32 $0x70;
	v10 =	vld.idx.msk [tilespmem:v3+s25+$0x0], $0xffff;
	v3 =	vadd.f32 $-1.000000000e+00, v17  }
0x248: {  	v20 =	vmov s14;
	v21 =	vor.u32 s14, v1;
	v26 =	vshll.u32 v22, $0xA;
	v11 =	vpop (erf)  }
0x249: {  	v28 =	vshll.u32 v24, $0xA;
	v22 =	vshll.u32 v22, $0x7;
	v11 =	vmul.f32 v11, v3  }
0x24a: {  	v24 =	vshll.u32 v24, $0x7;
	v20 =	vshll.u32 v20, $0x3;
	v9 =	vld.idx.msk [tilespmem:v9+s25+$0x0], $0xffff;
	v3 =	vor.u32 v1, v5  }
0x24b: {  	v5 =	vshra.s32 v8, $0x17;
	v8 =	vand.u32 $0x7FFFFF, v8;
	v14 =	vmul.f32 v11, v11  }
0x24c: {  	v20 =	vand.u32 $0x1C00, v20;
	v12 =	vshra.s32 v12, $0x17;
	v8 =	vor.u32 $0x3F800000, v8  }
0x24d: {  	v13 =	vand.u32 $0x7FFFFF, v10;
	v16 =	vadd.f32 $1.000000000e+00, v8;
	v18 =	vmul.f32 $2.857142980e-01, v14  }
0x24e: {  	v12 =	vadd.s32 $0xFFFFFF81, v12;
	v10 =	vshra.s32 v10, $0x17;
	v13 =	vor.u32 $0x3F800000, v13  }
0x24f: {  	v15 =	vand.u32 $0x7FFFFF, v9;
	(erf) = vrcp.f32 v16;
	v16 =	vadd.f32 $4.000000060e-01, v18  }
0x250: {  	v5 =	vadd.s32 $0xFFFFFF81, v5;
	v17 =	vadd.f32 $1.000000000e+00, v13;
	v15 =	vor.u32 $0x3F800000, v15  }
0x251: {  	v19 =	vadd.f32 $1.000000000e+00, v15;
	v18 =	vcvt.s32.f32 v5;
	v5 =	vld [tilespmem:s16+$0x10];
	v16 =	vmul.f32 v16, v14  }
0x252: {  	v12 =	vcvt.s32.f32 v12;
	v10 =	vadd.s32 $0xFFFFFF81, v10;
	(erf) = vrcp.f32 v17  }
0x253: {  	(erf) = vrcp.f32 v19;
	v19 =	vcvt.s32.f32 v10;
	v10 =	vadd.f32 $6.666666860e-01, v16  }
0x254: {  	v12 =	vmul.f32 $6.931471820e-01, v12;
	v8 =	vadd.f32 $-1.000000000e+00, v8;
	v9 =	vshra.s32 v9, $0x17  }
0x255: {  	s10 =	simm.s32 $0x40;
	v17 =	vadd.s32 $0xFFFFFF81, v9;
	v10 =	vmul.f32 v10, v14;
	v14 =	vand.u32 $0x7F, v21  }
0x256: {  	v9 =	vmov s10;
	v14 =	vor.u32 v20, v14;
	v20 =	vshll.u32 v5, $0xA  }
0x257: {  	v5 =	vshll.u32 v5, $0x7;
	v10 =	vadd.f32 $2.000000000e+00, v10;
	v20 =	vand.u32 $0xFFFFE000, v20  }
0x258: {  	v9 =	vshll.u32 v9, $0x3;
	v21 =	vld [tilespmem:s16+$0xFFFFFFE0];
	v25 =	vand.u32 $0x380, v5;
	v14 =	vor.u32 v20, v14  }
0x259: {  	v16 =	vor.u32 s10, v1;
	v11 =	vmul.f32 v10, v11;
	v10 =	vor.u32 v25, v14  }
0x25a: {  	v13 =	vadd.f32 $-1.000000000e+00, v13;
	v9 =	vand.u32 $0x1C00, v9;
	v16 =	vand.u32 $0x4F, v16;
	s16 =	simm.s32 $0x60  }
0x25b: {  	v9 =	vor.u32 v9, v16;
	v27 =	vor.u32 s16, v1;
	v20 =	vshll.u32 v23, $0x3  }
0x25c: {  	v23 =	vor.u32 s15, v1;
	v14 =	vmov s16;
	v20 =	vand.u32 $0x1C00, v20  }
0x25d: {  	v23 =	vand.u32 $0x5F, v23;
	v14 =	vshll.u32 v14, $0x3;
	v25 =	vshll.u32 v21, $0xA  }
0x25e: {  	v29 =	vand.u32 $0x1C00, v14;
	v14 =	vld.idx.msk [tilespmem:v10+s25+$0x0], $0xffff;
	v10 =	vand.u32 $0xFFFFE000, v25;
	v25 =	vand.u32 $0xFFFFE000, v26  }
0x25f: {  	v27 =	vand.u32 $0x6F, v27;
	v21 =	vshll.u32 v21, $0x7;
	v20 =	vor.u32 v20, v23  }
0x260: {  	v23 =	vor.u32 v29, v27;
	v26 =	vand.u32 $0xFFFFE000, v28;
	v16 =	vor.u32 v25, v20  }
0x261: {  	v20 =	vor.u32 v26, v23;
	v23 =	vand.u32 $0x380, v21;
	v9 =	vor.u32 v10, v9;
	v25 =	vpop (erf)  }
0x262: {  	v15 =	vadd.f32 $-1.000000000e+00, v15;
	v10 =	vand.u32 $0x380, v22;
	v23 =	vor.u32 v23, v9;
	v27 =	vpop (erf)  }
0x263: {  	v16 =	vor.u32 v10, v16;
	v28 =	vmul.f32 v25, v8;
	v26 =	vand.u32 $0x7FFFFF, v14;
	v8 =	vpop (erf)  }
0x264: {  	v10 =	vmul.f32 v27, v13;
	v25 =	vor.u32 $0x3F800000, v26;
	v9 =	vmul.f32 v8, v15  }
0x265: {  	v26 =	vand.u32 $0x380, v24;
	v15 =	vmul.f32 v28, v28;
	v13 =	vadd.f32 $1.000000000e+00, v25  }
0x266: {  	v8 =	vor.u32 v26, v20;
	v27 =	vmul.f32 v10, v10;
	v29 =	vmul.f32 v9, v9  }
0x267: {  	v4 =	vor.u32 v1, v4;
	(erf) = vrcp.f32 v13;
	v13 =	vmul.f32 $2.857142980e-01, v15  }
0x268: {  	v6 =	vor.u32 v1, v6;
	v17 =	vcvt.s32.f32 v17;
	v60 =	vadd.f32 v11, v12;
	v16 =	vld.idx.msk [tilespmem:v16+s25+$0x0], $0xffff  }
0x269: {  	v20 =	vld.idx.msk [tilespmem:v23+s25+$0x0], $0xffff;
	v23 =	vmul.f32 $2.857142980e-01, v27;
	v11 =	vmul.f32 $2.857142980e-01, v29;
	v26 =	vadd.f32 $4.000000060e-01, v13  }
0x26a: {  	v7 =	vor.u32 v1, v21;
	v12 =	vmul.f32 $6.931471820e-01, v19;
	v13 =	vmul.f32 $6.931471820e-01, v18  }
0x26b: {  	v18 =	vadd.f32 $4.000000060e-01, v23;
	v23 =	vld.idx.msk [tilespmem:v8+s25+$0x0], $0xffff;
	v19 =	vadd.f32 $4.000000060e-01, v11;
	v21 =	vmul.f32 v26, v15  }
0x26c: {  	v11 =	vmul.f32 $6.931471820e-01, v17;
	v8 =	vor.u32 v1, v22;
	v22 =	vadd.f32 $-1.000000000e+00, v25  }
0x26d: {  	v17 =	vmul.f32 v18, v27;
	v32 =	vadd.f32 $6.666666860e-01, v21;
	v21 =	vand.u32 $0x7FFFFF, v16  }
0x26e: {  	v18 =	vmul.f32 v19, v29;
	v19 =	vshra.s32 v20, $0x17;
	v20 =	vand.u32 $0x7FFFFF, v20  }
0x26f: {  	v20 =	vor.u32 $0x3F800000, v20;
	v17 =	vadd.f32 $6.666666860e-01, v17;
	v16 =	vshra.s32 v16, $0x17  }
0x270: {  	v26 =	vor.u32 $0x3F800000, v21;
	v34 =	vadd.f32 $1.000000000e+00, v20;
	v33 =	vand.u32 $0x7FFFFF, v23;
	v21 =	vpop (erf)  }
0x271: {  	v35 =	vadd.f32 $1.000000000e+00, v26;
	v33 =	vor.u32 $0x3F800000, v33;
	v25 =	vmul.f32 v21, v22  }
0x272: {  	v19 =	vadd.s32 $0xFFFFFF81, v19;
	(erf) = vrcp.f32 v34;
	v61 =	vadd.f32 $1.000000000e+00, v33  }
0x273: {  	v22 =	vadd.f32 $-1.000000000e+00, v26;
	(erf) = vrcp.f32 v35;
	v26 =	vmul.f32 v25, v25  }
0x274: {  	v18 =	vadd.f32 $6.666666860e-01, v18;
	v16 =	vadd.s32 $0xFFFFFF81, v16;
	(erf) = vrcp.f32 v61  }
0x275: {  	v15 =	vmul.f32 v32, v15;
	v23 =	vshra.s32 v23, $0x17;
	v62 =	vmul.f32 $2.857142980e-01, v26  }
0x276: {  	v17 =	vmul.f32 v17, v27;
	v27 =	vmul.f32 v18, v29;
	v21 =	vadd.f32 $-1.000000000e+00, v20  }
0x277: {  	v29 =	vadd.s32 $0xFFFFFF81, v23;
	v20 =	vadd.f32 $-1.000000000e+00, v33;
	v32 =	vadd.f32 $4.000000060e-01, v62  }
0x278: {  	v18 =	vcvt.s32.f32 v19;
	v63 =	vadd.f32 $2.000000000e+00, v15;
	v23 =	vadd.f32 $2.000000000e+00, v17  }
0x279: {  	[tilespmem:v59+s30+$0x0] =	vst.idx.add.f32.msk $0xffff, v60;
	v17 =	vcvt.s32.f32 v16;
	v19 =	vadd.f32 $2.000000000e+00, v27;
	v27 =	vmul.f32 v32, v26  }
0x27a: {  	s9 =	simm.s32 $0x4;
	s14 =	simm.s32 $0x18CA0;
	s10 =	simm.s32 $0x80;
	[tilespmem:v59+s31+$0x0] =	vst.idx.add.f32.msk $0xffff, v2;
	v15 =	vor.u32 v1, v24;
	v16 =	vcvt.s32.f32 v29;
	v24 =	vmul.f32 v63, v28  }
.LBB2_9:
0x27b: {  	v28 =	vmov s10;
	v29 =	vor.u32 s10, v1;
	s6 =	sadd.s32 $0x10, s10;
	s7 =	sadd.s32 $0x20, s10;
	s15 =	sadd.s32 $0x30, s10;
	v30 =	vld [tilespmem:s14+$0x10];
	v38 =	vadd.f32 $6.666666860e-01, v27;
	v31 =	vpop (erf)  }
0x27c: {  	s9 =	sadd.s32 $0x4, s9;
	v32 =	vld [tilespmem:s14+$0xFFFFFFF0];
	v33 =	vmov s6;
	v34 =	vmov s15;
	v35 =	vor.u32 s15, v1;
	v36 =	vpop (erf)  }
0x27d: {  	v14 =	vshra.s32 v14, $0x17;
	p0 =	slt.u32 s9, $0x3C;
	v37 =	vld [tilespmem:s14+$0x0];
	v34 =	vshll.u32 v34, $0x3;
	v26 =	vmul.f32 v38, v26;
	v27 =	vpop (erf)  }
0x27e: {  	v14 =	vadd.s32 $0xFFFFFF81, v14;
	v35 =	vand.u32 $0x7F, v35;
	v38 =	vld [tilespmem:s14+$0xFFFFFFE0];
	v34 =	vand.u32 $0x1C00, v34  }
0x27f: {  	v14 =	vcvt.s32.f32 v14;
	v34 =	vor.u32 v34, v35;
	v26 =	vadd.f32 $2.000000000e+00, v26  }
0x280: {  	v39 =	vor.u32 v1, v5;
	v35 =	vshll.u32 v30, $0xA;
	v5 =	vshll.u32 v30, $0x7  }
0x281: {  	v14 =	vmul.f32 $6.931471820e-01, v14;
	v30 =	vand.u32 $0xFFFFE000, v35;
	v25 =	vmul.f32 v26, v25  }
0x282: {  	v26 =	vmov s7;
	v35 =	vand.u32 $0x380, v5;
	v30 =	vor.u32 v30, v34  }
0x283: {  	v33 =	vshll.u32 v33, $0x3;
	v30 =	vor.u32 v35, v30;
	v14 =	vadd.f32 v25, v14  }
0x284: {  	v26 =	vshll.u32 v26, $0x3;
	v25 =	vshll.u32 v28, $0x3;
	v28 =	vor.u32 s6, v1  }
0x285: {  	v40 =	vor.u32 s7, v1;
	v34 =	vshll.u32 v38, $0xA;
	v35 =	vshll.u32 v32, $0xA;
	[tilespmem:v39+s30+$0x0] =	vst.idx.add.f32.msk $0xffff, v14  }
0x286: {  	v33 =	vand.u32 $0x1C00, v33;
	v41 =	vshll.u32 v37, $0xA;
	v26 =	vand.u32 $0x1C00, v26;
	[tilespmem:v39+s31+$0x0] =	vst.idx.add.f32.msk $0xffff, v2  }
0x287: {  	v25 =	vand.u32 $0x1C00, v25;
	v28 =	vand.u32 $0x5F, v28;
	v39 =	vand.u32 $0x6F, v40  }
0x288: {  	v29 =	vand.u32 $0x4F, v29;
	v34 =	vand.u32 $0xFFFFE000, v34;
	v35 =	vand.u32 $0xFFFFE000, v35;
	v14 =	vld.idx.msk [tilespmem:v30+s25+$0x0], $0xffff  }
0x289: {  	v32 =	vshll.u32 v32, $0x7;
	v30 =	vshll.u32 v38, $0x7;
	v38 =	vand.u32 $0xFFFFE000, v41  }
0x28a: {  	v28 =	vor.u32 v33, v28;
	v33 =	vshll.u32 v37, $0x7;
	v26 =	vor.u32 v26, v39  }
0x28b: {  	v25 =	vor.u32 v25, v29;
	v28 =	vor.u32 v35, v28;
	v26 =	vor.u32 v38, v26  }
0x28c: {  	v25 =	vor.u32 v34, v25;
	v34 =	vand.u32 $0x380, v32;
	v29 =	vand.u32 $0x380, v30  }
0x28d: {  	v28 =	vor.u32 v34, v28;
	v25 =	vor.u32 v29, v25;
	v29 =	vand.u32 $0x380, v33  }
0x28e: {  	v31 =	vmul.f32 v31, v21;
	v26 =	vor.u32 v29, v26;
	v29 =	vand.u32 $0x7FFFFF, v14  }
0x28f: {  	v22 =	vmul.f32 v36, v22;
	v20 =	vmul.f32 v27, v20;
	v21 =	vor.u32 $0x3F800000, v29  }
0x290: {  	v23 =	vmul.f32 v23, v10;
	v29 =	vmul.f32 v31, v31;
	v27 =	vadd.f32 $1.000000000e+00, v21  }
0x291: {  	v24 =	vadd.f32 v24, v13;
	v10 =	vmovc v22;
	v35 =	vmul.f32 v20, v20;
	v34 =	vmul.f32 v22, v22  }
0x292: {  	v23 =	vadd.f32 v23, v12;
	v13 =	vmul.f32 $2.857142980e-01, v29;
	v22 =	vld.idx.msk [tilespmem:v25+s25+$0x0], $0xffff;
	(erf) = vrcp.f32 v27  }
0x293: {  	v12 =	vmul.f32 $2.857142980e-01, v34;
	v25 =	vor.u32 v1, v30;
	v27 =	vld.idx.msk [tilespmem:v28+s25+$0x0], $0xffff;
	v28 =	vmul.f32 $2.857142980e-01, v35  }
0x294: {  	v30 =	vld.idx.msk [tilespmem:v26+s25+$0x0], $0xffff;
	v26 =	vadd.f32 $4.000000060e-01, v13;
	v13 =	vmul.f32 $6.931471820e-01, v18;
	v18 =	vmul.f32 v19, v9;
	v9 =	vmovc v20  }
0x295: {  	v19 =	vadd.f32 $4.000000060e-01, v12;
	v12 =	vmul.f32 $6.931471820e-01, v17;
	v17 =	vadd.f32 $4.000000060e-01, v28;
	[tilespmem:v4+s30+$0x0] =	vst.idx.add.f32.msk $0xffff, v24  }
0x296: {  	v20 =	vmul.f32 v26, v29;
	[tilespmem:v4+s31+$0x0] =	vst.idx.add.f32.msk $0xffff, v2;
	v18 =	vadd.f32 v18, v11;
	v11 =	vmul.f32 $6.931471820e-01, v16  }
0x297: {  	v16 =	vor.u32 v1, v32;
	v19 =	vmul.f32 v19, v34;
	v4 =	vmovc v7;
	v17 =	vmul.f32 v17, v35  }
0x298: {  	v7 =	vmovc v25;
	v24 =	vshra.s32 v22, $0x17;
	v22 =	vand.u32 $0x7FFFFF, v22;
	v28 =	vadd.f32 $6.666666860e-01, v20;
	[tilespmem:v3+s30+$0x0] =	vst.idx.add.f32.msk $0xffff, v23  }
0x299: {  	v20 =	vor.u32 $0x3F800000, v22;
	v36 =	vand.u32 $0x7FFFFF, v27;
	v19 =	vadd.f32 $6.666666860e-01, v19;
	[tilespmem:v3+s31+$0x0] =	vst.idx.add.f32.msk $0xffff, v2;
	v3 =	vmovc v8;
	v8 =	vmovc v16  }
0x29a: {  	v23 =	vadd.f32 $-1.000000000e+00, v21;
	v16 =	vor.u32 $0x3F800000, v36;
	v25 =	vand.u32 $0x7FFFFF, v30;
	[tilespmem:v6+s30+$0x0] =	vst.idx.add.f32.msk $0xffff, v18  }
0x29b: {  	v18 =	vadd.f32 $1.000000000e+00, v20;
	v32 =	vadd.f32 $1.000000000e+00, v16;
	v26 =	vor.u32 $0x3F800000, v25;
	v22 =	vpop (erf);
	[tilespmem:v6+s31+$0x0] =	vst.idx.add.f32.msk $0xffff, v2  }
0x29c: {  	v21 =	vadd.f32 $-1.000000000e+00, v20;
	v36 =	vadd.f32 $1.000000000e+00, v26;
	v6 =	vmovc v15;
	v25 =	vmul.f32 v22, v23  }
0x29d: {  	v20 =	vadd.f32 $-1.000000000e+00, v26;
	v22 =	vadd.f32 $-1.000000000e+00, v16;
	(erf) = vrcp.f32 v18  }
0x29e: {  	v15 =	vadd.f32 $6.666666860e-01, v17;
	v26 =	vmul.f32 v25, v25;
	(erf) = vrcp.f32 v32  }
0x29f: {  	v17 =	vmul.f32 v28, v29;
	v16 =	vshra.s32 v27, $0x17;
	(erf) = vrcp.f32 v36  }
0x2a0: {  	v19 =	vmul.f32 v19, v34;
	v18 =	vshra.s32 v30, $0x17;
	v23 =	vmul.f32 $2.857142980e-01, v26  }
.Ltmp3:
0x2a1: {  	v24 =	vadd.s32 $0xFFFFFF81, v24;
	v16 =	vadd.s32 $0xFFFFFF81, v16;
	v15 =	vmul.f32 v15, v35;
	(pc) =	sbr.rel @p0 .LBB2_9-.Ltmp3, $4  }
0x2a2: {  	v29 =	vadd.f32 $2.000000000e+00, v17;
	v28 =	vadd.s32 $0xFFFFFF81, v18;
	v27 =	vadd.f32 $4.000000060e-01, v23  }
0x2a3: {  	v18 =	vcvt.s32.f32 v24;
	v23 =	vadd.f32 $2.000000000e+00, v19;
	v19 =	vadd.f32 $2.000000000e+00, v15  }
0x2a4: {  	v17 =	vcvt.s32.f32 v16;
	v15 =	vor.u32 v1, v33;
	v27 =	vmul.f32 v27, v26  }
0x2a5: {  	s10 =	sadd.s32 $0x40, s10;
	s14 =	sadd.s32 $0x40, s14;
	v16 =	vcvt.s32.f32 v28;
	v24 =	vmul.f32 v29, v31  }
0x2a6: {  	v28 =	vpop (erf)  }
0x2a7: {  	v21 =	vmul.f32 v28, v21  }
0x2a8: {  	v41 =	vpop (erf)  }
0x2a9: {  	v29 =	vpop (erf);
	v22 =	vmul.f32 v41, v22;
	v42 =	vmul.f32 v21, v21  }
0x2aa: {  	v20 =	vmul.f32 v29, v20  }
0x2ab: {  	v43 =	vmul.f32 v22, v22;
	v44 =	vmul.f32 $2.857142980e-01, v42  }
0x2ac: {  	v27 =	vadd.f32 $6.666666860e-01, v27;
	v14 =	vshra.s32 v14, $0x17  }
0x2ad: {  	v30 =	vmul.f32 v20, v20;
	v31 =	vmul.f32 $2.857142980e-01, v43;
	v29 =	vadd.f32 $4.000000060e-01, v44  }
0x2ae: {  	v5 =	vor.u32 v1, v5;
	v10 =	vmul.f32 v23, v10;
	v9 =	vmul.f32 v19, v9  }
0x2af: {  	v45 =	vmul.f32 $2.857142980e-01, v30;
	v31 =	vadd.f32 $4.000000060e-01, v31;
	v29 =	vmul.f32 v29, v42  }
0x2b0: {  	v14 =	vadd.s32 $0xFFFFFF81, v14;
	v13 =	vadd.f32 v24, v13;
	v26 =	vmul.f32 v27, v26  }
0x2b1: {  	v46 =	vadd.f32 $4.000000060e-01, v45;
	v47 =	vmul.f32 v31, v43;
	v29 =	vadd.f32 $6.666666860e-01, v29  }
0x2b2: {  	v14 =	vcvt.s32.f32 v14;
	v51 =	vadd.f32 v10, v12;
	v26 =	vadd.f32 $2.000000000e+00, v26  }
0x2b3: {  	[tilespmem:v4+s30+$0x0] =	vst.idx.add.f32.msk $0xffff, v13;
	v48 =	vmul.f32 v46, v30;
	v49 =	vadd.f32 $6.666666860e-01, v47;
	v50 =	vmul.f32 v29, v42  }
0x2b4: {  	v56 =	vadd.f32 v9, v11;
	v14 =	vmul.f32 $6.931471820e-01, v14;
	[tilespmem:v4+s31+$0x0] =	vst.idx.add.f32.msk $0xffff, v2;
	v25 =	vmul.f32 v26, v25  }
0x2b5: {  	[tilespmem:v3+s30+$0x0] =	vst.idx.add.f32.msk $0xffff, v51;
	v52 =	vadd.f32 $6.666666860e-01, v48;
	v53 =	vmul.f32 v49, v43;
	v54 =	vadd.f32 $2.000000000e+00, v50  }
0x2b6: {  	v55 =	vmul.f32 $6.931471820e-01, v18;
	[tilespmem:v6+s30+$0x0] =	vst.idx.add.f32.msk $0xffff, v56;
	v14 =	vadd.f32 v25, v14  }
0x2b7: {  	[tilespmem:v3+s31+$0x0] =	vst.idx.add.f32.msk $0xffff, v2;
	v57 =	vmul.f32 v52, v30;
	v58 =	vadd.f32 $2.000000000e+00, v53;
	v59 =	vmul.f32 v54, v21  }
0x2b8: {  	v60 =	vmul.f32 $6.931471820e-01, v17;
	[tilespmem:v6+s31+$0x0] =	vst.idx.add.f32.msk $0xffff, v2  }
0x2b9: {  	[tilespmem:v5+s30+$0x0] =	vst.idx.add.f32.msk $0xffff, v14;
	v3 =	vadd.f32 $2.000000000e+00, v57;
	v61 =	vmul.f32 v58, v22;
	v62 =	vadd.f32 v59, v55  }
0x2ba: {  	s8 =	sadd.s32 $0x1, s8;
	[tilespmem:v5+s31+$0x0] =	vst.idx.add.f32.msk $0xffff, v2  }
0x2bb: {  	v63 =	vmul.f32 $6.931471820e-01, v16;
	p0 =	sne.s32 s8, $0x8;
	v3 =	vmul.f32 v3, v20;
	v4 =	vadd.f32 v61, v60;
	[tilespmem:v7+s30+$0x0] =	vst.idx.add.f32.msk $0xffff, v62  }
.Ltmp4:
0x2bc: {  	[tilespmem:v7+s31+$0x0] =	vst.idx.add.f32.msk $0xffff, v2;
	(pc) =	sbr.rel @p0 .LBB2_2-.Ltmp4, $4  }
0x2bd: {  	v3 =	vadd.f32 v3, v63;
	[tilespmem:v8+s30+$0x0] =	vst.idx.add.f32.msk $0xffff, v4  }
0x2be: {  	[tilespmem:v8+s31+$0x0] =	vst.idx.add.f32.msk $0xffff, v2  }
0x2bf: {  	[tilespmem:v15+s30+$0x0] =	vst.idx.add.f32.msk $0xffff, v3  }
0x2c0: {  	[tilespmem:v15+s31+$0x0] =	vst.idx.add.f32.msk $0xffff, v2  }
0x2c1: {  	s6 =	rddreg [dreg:$0xa];
	s7 =	simm.s32 $0x9  }
0x2c2: {  	[hbm4b:s6+s4] =	stream.linear.scatter [tilespmem:s30], [sflag:$0x9], $0xA80, $0x38;
	[tilespmem:$0x1A800] =	vst v63  }
0x2c3: {  	_ =	swait.ge [sflag:s7], $0xA80  }
0x2c4: {  	[sflag:s7] =	ssyncset.done $0x0  }
0x2c5: {  	s15 =	rddreg [dreg:$0xb];
	[sflag:s7] =	ssyncadd.s32 $0xFFFFF580  }
0x2c6: {  	[hbm4b:s15+s4] =	stream.linear.scatter [tilespmem:s31], [sflag:$0x9], $0xA80, $0x38;
	[tilespmem:$0x1A800] =	vst v63  }
0x2c7: {  	_ =	swait.ge [sflag:s7], $0xA80  }
0x2c8: {  	s8 =	rddreg [dreg:$0xd]  }
0x2c9: {  	s16 =	rddreg [dreg:$0xc];
	s8 =	sadd.s32 $0x1, s8  }
0x2ca: {  	p0 =	sne.s32 s8, s16  }
.Ltmp5:
0x2cb: {  	_ = 	snop;
	(pc) =	sbr.rel @p0 .LBB2_1-.Ltmp5, $3  }
0x2cc: {  	_ =	sdelay $0x1  }
0x2cd: {  	[sflag:s7] =	ssyncset.done $0x0  }
0x2ce: {  	[sflag:s7] =	ssyncadd.s32 $0xFFFFF580  }
0x2cf: {  	_ =	sfence.sel $0x180000  }
0x2d0: {  	[bflag:$0x0] =	sbarrier.arrive $0xFFFF  }
0x2d1: {  	_ =	strace $0x90000047  }
0x2d2: {  	s0 =	stileid.u32;
	[bflag:$0x2] =	sbarrier.arrive $0xFFFF  }
0x2d3: {  	p0 =	sne.s32 s0, $0x0;
	s0 =	rddreg [dreg:$0x3]  }
0x2d4: {  	s0 =	sadd.s32 @!p0 $0x100000, s0  }
0x2d5: {  	[sflag:s0] =	ssyncadd.tile.s32 @!p0 $0x1;
	_ =	shalt  }
.Lfunc_end2:
_tile_overlayer_lowered:
.L_overlay_start_2:
0x2d6: {  	(tag) =	ssettag $0x2  }
0x2d7: {  	s0 =	rddreg [dreg:$0x0];
	s2 =	stileid.u32  }
0x2d8: {  	s1 =	rddreg [dreg:$0x1];
	p0 =	sne.s32 s2, $0x0  }
0x2d9: {  	s3 =	rddreg [dreg:$0x2];
	[bflag:$0x3] =	sbarrier.arrive $0xFFFF;
	s2 =	simm.s32 @!p0 $0x1C09  }
0x2da: {  	[timem:s3], [sflag:s2] =	dma.local @!p0 [hbm:s0], s1  }
0x2db: {  	s0 =	simm.s32 @!p0 $0x9  }
0x2dc: {  	_ =	swait.ge @!p0 [sflag:s0], s1  }
0x2dd: {  	s1 =	ssub.s32 @!p0 $0x0, s1;
	[sflag:s0] =	ssyncset.done @!p0 $0x0  }
0x2de: {  	[sflag:s0] =	ssyncadd.s32 @!p0 s1  }
0x2df: {  	[bflag:$0x3] =	sbarrier.arrive $0xFFFF  }
0x2e0: {  	_ =	shalt  }

</sc_bundles>
